<compile_context>
chip_gen: v7x
topology: tpu7x:2x2x1
jax: 0.10.2.dev20260603
libtpu: 0.0.44.dev20260713+nightly
codegen_flags: <defaults>
</compile_context>

<pallas_src>
import functools

import jax
import jax.numpy as jnp
from jax import lax
from jax.experimental import pallas as pl
from jax.experimental.pallas import tpu as pltpu
from jax.experimental.pallas import tpu_sc as plsc


def _loss_body(n_total, part_ref, out_ref):
    s = jnp.sum(part_ref[...])
    out_ref[...] = jnp.reshape(1.0 - s * (1.0 / n_total), (1, 1))


def _copy_body(in_ref, out_ref):
    out_ref[...] = in_ref[...]


def _tc_copy(x, block_rows):
    s, four, b = x.shape
    grid = s // block_rows
    return pl.pallas_call(
        _copy_body,
        grid=(grid,),
        in_specs=[pl.BlockSpec((block_rows, four, b),
                               lambda i: (i, 0, 0))],
        out_specs=pl.BlockSpec((block_rows, four, b), lambda i: (i, 0, 0)),
        out_shape=jax.ShapeDtypeStruct((s, four, b), x.dtype),
    )(x)


def _rsqrt16(x):
    i = plsc.bitcast(x, jnp.int32)
    y = plsc.bitcast(jnp.int32(0x5F3759DF) - (i >> 1), jnp.float32)
    half = x * 0.5
    for _ in range(3):
        y = y * (1.5 - half * y * y)
    return y


@functools.lru_cache(maxsize=None)
def _make_sc_kernel(s_dim, b_dim):
    info = plsc.get_sparse_core_info()
    nc, ns = info.num_cores, info.num_subcores
    nw = nc * ns
    bw = b_dim // nw
    n_st = s_dim // 8
    unroll = 8
    groups = 8 * (bw // 16)
    cpr = bw // 16
    mesh = plsc.VectorSubcoreMesh(core_axis_name="c", subcore_axis_name="s")

    @functools.partial(
        pl.kernel,
        mesh=mesh,
        compiler_params=pltpu.CompilerParams(needs_layout_passes=False),
        out_type=(
            jax.ShapeDtypeStruct((s_dim, 4, b_dim), jnp.float32),
            jax.ShapeDtypeStruct((nw, 16), jnp.float32),
        ),
        scratch_types=[
            pltpu.VMEM((1024,), jnp.float32),
            pltpu.VMEM((1024,), jnp.float32),
            pltpu.VMEM((320,), jnp.float32),
            pltpu.VMEM((2, 8, bw), jnp.int32),
            pltpu.VMEM((2, 8, 4, bw), jnp.float32),
            pltpu.VMEM((2, 8, 4, bw), jnp.float32),
            pltpu.VMEM((16,), jnp.float32),
            pltpu.SemaphoreType.DMA,
            pltpu.SemaphoreType.DMA,
            pltpu.SemaphoreType.DMA,
            pltpu.SemaphoreType.DMA,
        ],
    )
    def sc_kernel(bytes_hbm, tgt_hbm, emb_hbm, wb_hbm, out_hbm, part_hbm,
                  table_v, emb_v, wb_v, idx_v, tgt_v, rows_v, acc_v,
                  in_sem0, in_sem1, out_sem0, out_sem1):
        wid = lax.axis_index("s") * nc + lax.axis_index("c")
        b0 = wid * bw
        in_sems = (in_sem0, in_sem1)
        out_sems = (out_sem0, out_sem1)

        pltpu.sync_copy(emb_hbm, emb_v)
        pltpu.sync_copy(wb_hbm, wb_v)
        iota = lax.iota(jnp.int32, 16)

        def splat(idx):
            return wb_v[pl.ds(idx * 16, 16)]

        w = [[splat(4 * k + m) for m in range(4)] for k in range(4)]
        bias = [splat(16 + k) for k in range(4)]

        def table_chunk(t, _):
            e0 = t * 16
            em = [emb_v[pl.ds(m * 256 + e0, 16)] for m in range(4)]
            q = []
            for k in range(4):
                qk = bias[k]
                for m in range(4):
                    qk = qk + em[m] * w[k][m]
                q.append(qk)
            n2 = q[0] * q[0] + q[1] * q[1] + q[2] * q[2] + q[3] * q[3]
            inv = _rsqrt16(n2)
            fl = (e0 + iota) * 4
            for k in range(4):
                plsc.store_scatter(table_v, [fl + k], q[k] * inv)
            return _

        lax.fori_loop(0, 16, table_chunk, jnp.float32(0.0))

        def in_copies(st, p):
            s0 = st * 8
            return (
                pltpu.make_async_copy(
                    bytes_hbm.at[pl.ds(s0, 8), pl.ds(b0, bw)],
                    idx_v.at[p], in_sems[p]),
                pltpu.make_async_copy(
                    tgt_hbm.at[pl.ds(s0, 8), :, pl.ds(b0, bw)],
                    tgt_v.at[p], in_sems[p]),
            )

        def out_copy(st, p):
            s0 = st * 8
            return pltpu.make_async_copy(
                rows_v.at[p], out_hbm.at[pl.ds(s0, 8), :, pl.ds(b0, bw)],
                out_sems[p])

        def issue_in(st, p):
            for cp in in_copies(st, p):
                cp.start()

        def wait_in(st, p):
            for cp in in_copies(st, p):
                cp.wait()

        def compute(st, p, acc):
            @plsc.parallel_loop(0, groups, carry=acc, unroll=unroll)
            def body(g, acc):
                r = g // cpr
                c = (g % cpr) * 16
                b16 = idx_v[p, r, pl.ds(c, 16)]
                b4 = b16 * 4
                d = None
                for k in range(4):
                    ck = plsc.load_gather(table_v, [b4 + k])
                    tk = tgt_v[p, r, k, pl.ds(c, 16)]
                    rows_v[p, r, k, pl.ds(c, 16)] = ck
                    d = ck * tk if d is None else d + ck * tk
                return acc + d * d

            return body

        issue_in(0, 0)

        def pair_body(i, acc):
            st0 = 2 * i
            issue_in(st0 + 1, 1)
            wait_in(st0, 0)

            @pl.when(i >= 1)
            def _():
                out_copy(st0, 0).wait()

            acc = compute(st0, 0, acc)
            out_copy(st0, 0).start()
            issue_in(st0 + 2, 0)
            wait_in(st0 + 1, 1)

            @pl.when(i >= 1)
            def _():
                out_copy(st0 + 1, 1).wait()

            acc = compute(st0 + 1, 1, acc)
            out_copy(st0 + 1, 1).start()
            return acc

        acc = lax.fori_loop(0, (n_st - 1) // 2,
                            pair_body, jnp.zeros((16,), jnp.float32))
        last = n_st - 1
        wait_in(last, 0)
        out_copy(last, 0).wait()
        acc = compute(last, 0, acc)
        out_copy(last, 0).start()
        out_copy(last - 1, 1).wait()
        out_copy(last, 0).wait()
        acc_v[...] = acc
        pltpu.sync_copy(acc_v, part_hbm.at[wid])

    return sc_kernel


def kernel(byte_stream, target_geodesic, emb_table, proj_W, proj_b):
    b, s = byte_stream.shape
    n_total = b * s
    bytes_t = byte_stream.T
    tgt_t = jnp.transpose(target_geodesic, (1, 2, 0))
    emb_t = emb_table.T.reshape(1024)
    wb = jnp.broadcast_to(
        jnp.concatenate([proj_W.reshape(16), proj_b])[:, None],
        (20, 16)).reshape(320).astype(jnp.float32)

    sc = _make_sc_kernel(s, b)
    out_t, partials = sc(bytes_t, tgt_t, emb_t, wb)

    loss2d = pl.pallas_call(
        functools.partial(_loss_body, float(n_total)),
        out_shape=jax.ShapeDtypeStruct((1, 1), jnp.float32),
    )(partials)
    loss = loss2d.reshape(())

    code_path = jnp.transpose(out_t, (2, 0, 1))
    tgt_out = jnp.transpose(_tc_copy(tgt_t, 8), (2, 0, 1))
    return (loss, code_path, tgt_out, jnp.float32(0.1))

# --- scband reference (transcript-rebuilt; emitter-appended) ---
"""Pipeline reference for scband-code-geometric-bridge-87462714016206 (READ-ONLY COPY).

The authoritative reference and input builder live on the scoring server;
editing this copy changes nothing except your own understanding.
"""

import jax, jax.numpy as jnp
import numpy as np


def quaternion_normalize(q):
    return q / (jnp.linalg.norm(q, axis=-1, keepdims=True) + 1e-12)


def setup_inputs(seed: int = 0) -> dict:
    key = jax.random.key(seed)
    k1, k2, k3, k4, k5 = jax.random.split(key, 5)
    B, S = 16384, 200
    byte_stream = jax.random.randint(k1, (B, S), 0, 256, dtype=jnp.int32)
    # Target geodesic: unit-quaternion trajectories q(t) = exp(v*t), matching generate_synthetic_geodesic
    t = jnp.linspace(0.0, 1.0, S).reshape(1, S, 1)
    v = jax.random.normal(k2, (B, 1, 3), dtype=jnp.float32)
    v = v / (jnp.linalg.norm(v, axis=-1, keepdims=True) + 1e-06)
    theta = jnp.linalg.norm(v * t, axis=-1, keepdims=True)
    axis = v * t / (theta + 1e-06)
    qw = jnp.cos(theta)
    qxyz = axis * jnp.sin(theta)
    target_geodesic = jnp.concatenate([qw, qxyz], axis=-1)
    emb_table = jax.random.normal(k3, (256, 4), dtype=jnp.float32)
    proj_W = jax.random.normal(k4, (4, 4), dtype=jnp.float32) * 0.5
    proj_b = jax.random.normal(k5, (4,), dtype=jnp.float32) * 0.1
    return {"byte_stream": byte_stream, "target_geodesic": target_geodesic, "emb_table": emb_table, "proj_W": proj_W, "proj_b": proj_b}


def reference(byte_stream, target_geodesic, emb_table, proj_W, proj_b):
    # _byte_to_su2: embedding gather -> linear projection -> quaternion normalize
    q = jnp.take(emb_table, byte_stream, axis=0)          # [B, S, 4] gather
    q = q @ proj_W.T + proj_b                              # manifold_projection
    code_path = quaternion_normalize(q)
    alignment_dot = jnp.sum(code_path * target_geodesic, axis=-1)  # [B, S]
    isomorphism_loss = 1.0 - jnp.mean(jnp.square(alignment_dot))
    eta = jnp.float32(0.1)          # SpectralShiftTracker stub: constant shift
    decision = jnp.float32(1.0)     # canonical DDE stub: pass-through decision
    loss = isomorphism_loss * decision
    return (loss, code_path, target_geodesic, eta)

if __name__ == "__main__":
    import jax
    _d = setup_inputs()
    print(jax.jit(kernel)(*tuple(_d.values())))

</pallas_src>

<mosaic_0001>
#map = affine_map<(d0, d1) -> (0, 0)>
#map1 = affine_map<(d0, d1) -> (0, 0, 0)>
#map2 = affine_map<(d0, d1) -> (0)>
module attributes {stable_mosaic.version = 14 : i64} {
  func.func @sc_kernel(%arg0: i32, %arg1: i32, %arg2: memref<200x16384xi32, #tpu.memory_space<hbm>>, %arg3: memref<200x4x16384xf32, #tpu.memory_space<hbm>>, %arg4: memref<1024xf32, #tpu.memory_space<hbm>>, %arg5: memref<320xf32, #tpu.memory_space<hbm>>, %arg6: memref<200x4x16384xf32, #tpu.memory_space<hbm>>, %arg7: memref<32x16xf32, #tpu.memory_space<hbm>>, %arg8: memref<1024xf32, #tpu.memory_space<vmem>>, %arg9: memref<1024xf32, #tpu.memory_space<vmem>>, %arg10: memref<320xf32, #tpu.memory_space<vmem>>, %arg11: memref<2x8x512xi32, #tpu.memory_space<vmem>>, %arg12: memref<2x8x4x512xf32, #tpu.memory_space<vmem>>, %arg13: memref<2x8x4x512xf32, #tpu.memory_space<vmem>>, %arg14: memref<16xf32, #tpu.memory_space<vmem>>, %arg15: memref<!tpu.dma_semaphore, #tpu.memory_space<semaphore_mem>>, %arg16: memref<!tpu.dma_semaphore, #tpu.memory_space<semaphore_mem>>, %arg17: memref<!tpu.dma_semaphore, #tpu.memory_space<semaphore_mem>>, %arg18: memref<!tpu.dma_semaphore, #tpu.memory_space<semaphore_mem>>) attributes {dimension_semantics = [#tpu.dimension_semantics<core_parallel>, #tpu.dimension_semantics<subcore_parallel>], iteration_bounds = array<i64: 2, 16>, scalar_prefetch = 0 : i64, scratch_operands = 11 : i64, tpu.core_type = #tpu.core_type<sc_vector_subcore>, window_params = [{transform_indices = #map}, {transform_indices = #map1}, {transform_indices = #map2}, {transform_indices = #map2}, {transform_indices = #map1}, {transform_indices = #map}]} {
    %mul3A = arith.constant 2 : i32
    %mul3A_0 = arith.muli %arg1, %mul3A : i32
    %add3A = arith.addi %mul3A_0, %arg0 : i32
    %mul3A_1 = arith.constant 512 : i32
    %mul3A_2 = arith.muli %add3A, %mul3A_1 : i32
    "tpu.region"() ({
      %run_scoped3A = tpu.sem_alloc : memref<!tpu.dma_semaphore, #tpu.memory_space<semaphore_mem>>
      tpu.enqueue_dma source(%arg4 : memref<1024xf32, #tpu.memory_space<hbm>>) target(%arg9 : memref<1024xf32, #tpu.memory_space<vmem>>) target_semaphore(%run_scoped3A : memref<!tpu.dma_semaphore, #tpu.memory_space<semaphore_mem>>)
      tpu.wait_dma2 semaphore(%run_scoped3A : memref<!tpu.dma_semaphore, #tpu.memory_space<semaphore_mem>>) src(%arg4 : memref<1024xf32, #tpu.memory_space<hbm>>) dst(%arg9 : memref<1024xf32, #tpu.memory_space<vmem>>)
      tpu.yield
    }) : () -> ()
    "tpu.region"() ({
      %run_scoped3A = tpu.sem_alloc : memref<!tpu.dma_semaphore, #tpu.memory_space<semaphore_mem>>
      tpu.enqueue_dma source(%arg5 : memref<320xf32, #tpu.memory_space<hbm>>) target(%arg10 : memref<320xf32, #tpu.memory_space<vmem>>) target_semaphore(%run_scoped3A : memref<!tpu.dma_semaphore, #tpu.memory_space<semaphore_mem>>)
      tpu.wait_dma2 semaphore(%run_scoped3A : memref<!tpu.dma_semaphore, #tpu.memory_space<semaphore_mem>>) src(%arg5 : memref<320xf32, #tpu.memory_space<hbm>>) dst(%arg10 : memref<320xf32, #tpu.memory_space<vmem>>)
      tpu.yield
    }) : () -> ()
    %iota3A = tpu.iota {dimensions = array<i32: 0>} : vector<16xi32>
    %get3A = arith.constant 0 : index
    %get3A_3 = tpu.vector_load %arg10[%get3A] {strides = array<i32>} : memref<320xf32, #tpu.memory_space<vmem>>, vector<16xf32>,
    %get3A_4 = arith.constant 16 : index
    %get3A_5 = tpu.vector_load %arg10[%get3A_4] {strides = array<i32>} : memref<320xf32, #tpu.memory_space<vmem>>, vector<16xf32>,
    %get3A_6 = arith.constant 32 : index
    %get3A_7 = tpu.vector_load %arg10[%get3A_6] {strides = array<i32>} : memref<320xf32, #tpu.memory_space<vmem>>, vector<16xf32>,
    %get3A_8 = arith.constant 48 : index
    %get3A_9 = tpu.vector_load %arg10[%get3A_8] {strides = array<i32>} : memref<320xf32, #tpu.memory_space<vmem>>, vector<16xf32>,
    %get3A_10 = arith.constant 64 : index
    %get3A_11 = tpu.vector_load %arg10[%get3A_10] {strides = array<i32>} : memref<320xf32, #tpu.memory_space<vmem>>, vector<16xf32>,
    %get3A_12 = arith.constant 80 : index
    %get3A_13 = tpu.vector_load %arg10[%get3A_12] {strides = array<i32>} : memref<320xf32, #tpu.memory_space<vmem>>, vector<16xf32>,
    %get3A_14 = arith.constant 96 : index
    %get3A_15 = tpu.vector_load %arg10[%get3A_14] {strides = array<i32>} : memref<320xf32, #tpu.memory_space<vmem>>, vector<16xf32>,
    %get3A_16 = arith.constant 112 : index
    %get3A_17 = tpu.vector_load %arg10[%get3A_16] {strides = array<i32>} : memref<320xf32, #tpu.memory_space<vmem>>, vector<16xf32>,
    %get3A_18 = arith.constant 128 : index
    %get3A_19 = tpu.vector_load %arg10[%get3A_18] {strides = array<i32>} : memref<320xf32, #tpu.memory_space<vmem>>, vector<16xf32>,
    %get3A_20 = arith.constant 144 : index
    %get3A_21 = tpu.vector_load %arg10[%get3A_20] {strides = array<i32>} : memref<320xf32, #tpu.memory_space<vmem>>, vector<16xf32>,
    %get3A_22 = arith.constant 160 : index
    %get3A_23 = tpu.vector_load %arg10[%get3A_22] {strides = array<i32>} : memref<320xf32, #tpu.memory_space<vmem>>, vector<16xf32>,
    %get3A_24 = arith.constant 176 : index
    %get3A_25 = tpu.vector_load %arg10[%get3A_24] {strides = array<i32>} : memref<320xf32, #tpu.memory_space<vmem>>, vector<16xf32>,
    %get3A_26 = arith.constant 192 : index
    %get3A_27 = tpu.vector_load %arg10[%get3A_26] {strides = array<i32>} : memref<320xf32, #tpu.memory_space<vmem>>, vector<16xf32>,
    %get3A_28 = arith.constant 208 : index
    %get3A_29 = tpu.vector_load %arg10[%get3A_28] {strides = array<i32>} : memref<320xf32, #tpu.memory_space<vmem>>, vector<16xf32>,
    %get3A_30 = arith.constant 224 : index
    %get3A_31 = tpu.vector_load %arg10[%get3A_30] {strides = array<i32>} : memref<320xf32, #tpu.memory_space<vmem>>, vector<16xf32>,
    %get3A_32 = arith.constant 240 : index
    %get3A_33 = tpu.vector_load %arg10[%get3A_32] {strides = array<i32>} : memref<320xf32, #tpu.memory_space<vmem>>, vector<16xf32>,
    %get3A_34 = arith.constant 256 : index
    %get3A_35 = tpu.vector_load %arg10[%get3A_34] {strides = array<i32>} : memref<320xf32, #tpu.memory_space<vmem>>, vector<16xf32>,
    %get3A_36 = arith.constant 272 : index
    %get3A_37 = tpu.vector_load %arg10[%get3A_36] {strides = array<i32>} : memref<320xf32, #tpu.memory_space<vmem>>, vector<16xf32>,
    %get3A_38 = arith.constant 288 : index
    %get3A_39 = tpu.vector_load %arg10[%get3A_38] {strides = array<i32>} : memref<320xf32, #tpu.memory_space<vmem>>, vector<16xf32>,
    %get3A_40 = arith.constant 304 : index
    %get3A_41 = tpu.vector_load %arg10[%get3A_40] {strides = array<i32>} : memref<320xf32, #tpu.memory_space<vmem>>, vector<16xf32>,
    %scan3A = arith.constant 0.000000e+00 : f32
    %scan3A_42 = arith.constant 0 : i32
    %scan3A_43 = arith.constant 16 : i32
    %scan3A_44 = arith.addi %scan3A_42, %scan3A_43 : i32
    %scan3A_45 = arith.constant 1 : i32
    scf.for %scan3A_184 = %scan3A_42 to %scan3A_44 step %scan3A_45  : i32 {
      %mul3A_185 = arith.constant 16 : i32
      %mul3A_186 = arith.muli %scan3A_184, %mul3A_185 : i32
      %add3A_187 = arith.constant 0 : i32
      %add3A_188 = arith.addi %add3A_187, %mul3A_186 : i32
      %get3A_189 = arith.index_cast %add3A_188 : i32 to index
      %get3A_190 = tpu.vector_load %arg9[%get3A_189] {strides = array<i32>} : memref<1024xf32, #tpu.memory_space<vmem>>, vector<16xf32>,
      %add3A_191 = arith.constant 256 : i32
      %add3A_192 = arith.addi %add3A_191, %mul3A_186 : i32
      %get3A_193 = arith.index_cast %add3A_192 : i32 to index
      %get3A_194 = tpu.vector_load %arg9[%get3A_193] {strides = array<i32>} : memref<1024xf32, #tpu.memory_space<vmem>>, vector<16xf32>,
      %add3A_195 = arith.constant 512 : i32
      %add3A_196 = arith.addi %add3A_195, %mul3A_186 : i32
      %get3A_197 = arith.index_cast %add3A_196 : i32 to index
      %get3A_198 = tpu.vector_load %arg9[%get3A_197] {strides = array<i32>} : memref<1024xf32, #tpu.memory_space<vmem>>, vector<16xf32>,
      %add3A_199 = arith.constant 768 : i32
      %add3A_200 = arith.addi %add3A_199, %mul3A_186 : i32
      %get3A_201 = arith.index_cast %add3A_200 : i32 to index
      %get3A_202 = tpu.vector_load %arg9[%get3A_201] {strides = array<i32>} : memref<1024xf32, #tpu.memory_space<vmem>>, vector<16xf32>,
      %mul3A_203 = arith.mulf %get3A_190, %get3A_3 : vector<16xf32>
      %add3A_204 = arith.addf %get3A_35, %mul3A_203 : vector<16xf32>
      %mul3A_205 = arith.mulf %get3A_194, %get3A_5 : vector<16xf32>
      %add3A_206 = arith.addf %add3A_204, %mul3A_205 : vector<16xf32>
      %mul3A_207 = arith.mulf %get3A_198, %get3A_7 : vector<16xf32>
      %add3A_208 = arith.addf %add3A_206, %mul3A_207 : vector<16xf32>
      %mul3A_209 = arith.mulf %get3A_202, %get3A_9 : vector<16xf32>
      %add3A_210 = arith.addf %add3A_208, %mul3A_209 : vector<16xf32>
      %mul3A_211 = arith.mulf %get3A_190, %get3A_11 : vector<16xf32>
      %add3A_212 = arith.addf %get3A_37, %mul3A_211 : vector<16xf32>
      %mul3A_213 = arith.mulf %get3A_194, %get3A_13 : vector<16xf32>
      %add3A_214 = arith.addf %add3A_212, %mul3A_213 : vector<16xf32>
      %mul3A_215 = arith.mulf %get3A_198, %get3A_15 : vector<16xf32>
      %add3A_216 = arith.addf %add3A_214, %mul3A_215 : vector<16xf32>
      %mul3A_217 = arith.mulf %get3A_202, %get3A_17 : vector<16xf32>
      %add3A_218 = arith.addf %add3A_216, %mul3A_217 : vector<16xf32>
      %mul3A_219 = arith.mulf %get3A_190, %get3A_19 : vector<16xf32>
      %add3A_220 = arith.addf %get3A_39, %mul3A_219 : vector<16xf32>
      %mul3A_221 = arith.mulf %get3A_194, %get3A_21 : vector<16xf32>
      %add3A_222 = arith.addf %add3A_220, %mul3A_221 : vector<16xf32>
      %mul3A_223 = arith.mulf %get3A_198, %get3A_23 : vector<16xf32>
      %add3A_224 = arith.addf %add3A_222, %mul3A_223 : vector<16xf32>
      %mul3A_225 = arith.mulf %get3A_202, %get3A_25 : vector<16xf32>
      %add3A_226 = arith.addf %add3A_224, %mul3A_225 : vector<16xf32>
      %mul3A_227 = arith.mulf %get3A_190, %get3A_27 : vector<16xf32>
      %add3A_228 = arith.addf %get3A_41, %mul3A_227 : vector<16xf32>
      %mul3A_229 = arith.mulf %get3A_194, %get3A_29 : vector<16xf32>
      %add3A_230 = arith.addf %add3A_228, %mul3A_229 : vector<16xf32>
      %mul3A_231 = arith.mulf %get3A_198, %get3A_31 : vector<16xf32>
      %add3A_232 = arith.addf %add3A_230, %mul3A_231 : vector<16xf32>
      %mul3A_233 = arith.mulf %get3A_202, %get3A_33 : vector<16xf32>
      %add3A_234 = arith.addf %add3A_232, %mul3A_233 : vector<16xf32>
      %mul3A_235 = arith.mulf %add3A_210, %add3A_210 : vector<16xf32>
      %mul3A_236 = arith.mulf %add3A_218, %add3A_218 : vector<16xf32>
      %add3A_237 = arith.addf %mul3A_235, %mul3A_236 : vector<16xf32>
      %mul3A_238 = arith.mulf %add3A_226, %add3A_226 : vector<16xf32>
      %add3A_239 = arith.addf %add3A_237, %mul3A_238 : vector<16xf32>
      %mul3A_240 = arith.mulf %add3A_234, %add3A_234 : vector<16xf32>
      %add3A_241 = arith.addf %add3A_239, %mul3A_240 : vector<16xf32>
      %bitcast3A = vector.bitcast %add3A_241 : vector<16xf32> to vector<16xi32>
      %shift_right_arithmetic3A = arith.constant 1 : i32
      %shift_right_arithmetic3A_242 = vector.broadcast %shift_right_arithmetic3A : i32 to vector<16xi32>
      %shift_right_arithmetic3A_243 = arith.shrsi %bitcast3A, %shift_right_arithmetic3A_242 : vector<16xi32>
      %sub3A = arith.constant 1597463007 : i32
      %sub3A_244 = vector.broadcast %sub3A : i32 to vector<16xi32>
      %sub3A_245 = arith.subi %sub3A_244, %shift_right_arithmetic3A_243 : vector<16xi32>
      %bitcast3A_246 = vector.bitcast %sub3A_245 : vector<16xi32> to vector<16xf32>
      %mul3A_247 = arith.constant 5.000000e-01 : f32
      %mul3A_248 = vector.broadcast %mul3A_247 : f32 to vector<16xf32>
      %mul3A_249 = arith.mulf %add3A_241, %mul3A_248 : vector<16xf32>
      %mul3A_250 = arith.mulf %mul3A_249, %bitcast3A_246 : vector<16xf32>
      %mul3A_251 = arith.mulf %mul3A_250, %bitcast3A_246 : vector<16xf32>
      %sub3A_252 = arith.constant 1.500000e+00 : f32
      %sub3A_253 = vector.broadcast %sub3A_252 : f32 to vector<16xf32>
      %sub3A_254 = arith.subf %sub3A_253, %mul3A_251 : vector<16xf32>
      %mul3A_255 = arith.mulf %bitcast3A_246, %sub3A_254 : vector<16xf32>
      %mul3A_256 = arith.mulf %mul3A_249, %mul3A_255 : vector<16xf32>
      %mul3A_257 = arith.mulf %mul3A_256, %mul3A_255 : vector<16xf32>
      %sub3A_258 = arith.constant 1.500000e+00 : f32
      %sub3A_259 = vector.broadcast %sub3A_258 : f32 to vector<16xf32>
      %sub3A_260 = arith.subf %sub3A_259, %mul3A_257 : vector<16xf32>
      %mul3A_261 = arith.mulf %mul3A_255, %sub3A_260 : vector<16xf32>
      %mul3A_262 = arith.mulf %mul3A_249, %mul3A_261 : vector<16xf32>
      %mul3A_263 = arith.mulf %mul3A_262, %mul3A_261 : vector<16xf32>
      %sub3A_264 = arith.constant 1.500000e+00 : f32
      %sub3A_265 = vector.broadcast %sub3A_264 : f32 to vector<16xf32>
      %sub3A_266 = arith.subf %sub3A_265, %mul3A_263 : vector<16xf32>
      %mul3A_267 = arith.mulf %mul3A_261, %sub3A_266 : vector<16xf32>
      %add3A_268 = vector.broadcast %mul3A_186 : i32 to vector<16xi32>
      %add3A_269 = arith.addi %add3A_268, %iota3A : vector<16xi32>
      %mul3A_270 = arith.constant 4 : i32
      %mul3A_271 = vector.broadcast %mul3A_270 : i32 to vector<16xi32>
      %mul3A_272 = arith.muli %add3A_269, %mul3A_271 : vector<16xi32>
      %add3A_273 = arith.constant 0 : i32
      %add3A_274 = vector.broadcast %add3A_273 : i32 to vector<16xi32>
      %add3A_275 = arith.addi %mul3A_272, %add3A_274 : vector<16xi32>
      %mul3A_276 = arith.mulf %add3A_210, %mul3A_267 : vector<16xf32>
      tpu.vector_store_idx %arg8[%add3A_275], %mul3A_276 : memref<1024xf32, #tpu.memory_space<vmem>>[vector<16xi32>], vector<16xf32>,
      %add3A_277 = arith.constant 1 : i32
      %add3A_278 = vector.broadcast %add3A_277 : i32 to vector<16xi32>
      %add3A_279 = arith.addi %mul3A_272, %add3A_278 : vector<16xi32>
      %mul3A_280 = arith.mulf %add3A_218, %mul3A_267 : vector<16xf32>
      tpu.vector_store_idx %arg8[%add3A_279], %mul3A_280 : memref<1024xf32, #tpu.memory_space<vmem>>[vector<16xi32>], vector<16xf32>,
      %add3A_281 = arith.constant 2 : i32
      %add3A_282 = vector.broadcast %add3A_281 : i32 to vector<16xi32>
      %add3A_283 = arith.addi %mul3A_272, %add3A_282 : vector<16xi32>
      %mul3A_284 = arith.mulf %add3A_226, %mul3A_267 : vector<16xf32>
      tpu.vector_store_idx %arg8[%add3A_283], %mul3A_284 : memref<1024xf32, #tpu.memory_space<vmem>>[vector<16xi32>], vector<16xf32>,
      %add3A_285 = arith.constant 3 : i32
      %add3A_286 = vector.broadcast %add3A_285 : i32 to vector<16xi32>
      %add3A_287 = arith.addi %mul3A_272, %add3A_286 : vector<16xi32>
      %mul3A_288 = arith.mulf %add3A_234, %mul3A_267 : vector<16xf32>
      tpu.vector_store_idx %arg8[%add3A_287], %mul3A_288 : memref<1024xf32, #tpu.memory_space<vmem>>[vector<16xi32>], vector<16xf32>,
    }
    %scan3A_46 = arith.constant 16 : i32
    %dma_start3A = arith.constant 0 : i32
    %dma_start3A_47 = arith.constant 0 : i32
    %dma_start3A_48 = arith.constant 0 : i32
    %dma_start3A_49 = tpu.memref_slice %arg11[%dma_start3A, %dma_start3A_47, %dma_start3A_48] : memref<2x8x512xi32, #tpu.memory_space<vmem>> -> memref<1x8x512xi32, #tpu.memory_space<vmem>>
    %dma_start3A_50 = tpu.memref_squeeze %dma_start3A_49 : memref<1x8x512xi32, #tpu.memory_space<vmem>> -> memref<8x512xi32, #tpu.memory_space<vmem>>
    %dma_start3A_51 = arith.constant 0 : i32
    %dma_start3A_52 = tpu.memref_slice %arg2[%dma_start3A_51, %mul3A_2] : memref<200x16384xi32, #tpu.memory_space<hbm>> -> memref<8x512xi32, #tpu.memory_space<hbm>>
    %dma_start3A_53 = arith.constant 0 : i32
    %dma_start3A_54 = arith.constant 0 : i32
    %dma_start3A_55 = tpu.memref_slice %arg11[%dma_start3A, %dma_start3A_53, %dma_start3A_54] : memref<2x8x512xi32, #tpu.memory_space<vmem>> -> memref<1x8x512xi32, #tpu.memory_space<vmem>>
    %dma_start3A_56 = tpu.memref_squeeze %dma_start3A_55 : memref<1x8x512xi32, #tpu.memory_space<vmem>> -> memref<8x512xi32, #tpu.memory_space<vmem>>
    %dma_start3A_57 = arith.constant 0 : i32
    %dma_start3A_58 = tpu.memref_slice %arg2[%dma_start3A_57, %mul3A_2] : memref<200x16384xi32, #tpu.memory_space<hbm>> -> memref<8x512xi32, #tpu.memory_space<hbm>>
    tpu.enqueue_dma source(%dma_start3A_58 : memref<8x512xi32, #tpu.memory_space<hbm>>) target(%dma_start3A_56 : memref<8x512xi32, #tpu.memory_space<vmem>>) target_semaphore(%arg15 : memref<!tpu.dma_semaphore, #tpu.memory_space<semaphore_mem>>)
    %dma_start3A_59 = arith.constant 0 : i32
    %dma_start3A_60 = arith.constant 0 : i32
    %dma_start3A_61 = arith.constant 0 : i32
    %dma_start3A_62 = arith.constant 0 : i32
    %dma_start3A_63 = tpu.memref_slice %arg12[%dma_start3A_59, %dma_start3A_60, %dma_start3A_61, %dma_start3A_62] : memref<2x8x4x512xf32, #tpu.memory_space<vmem>> -> memref<1x8x4x512xf32, #tpu.memory_space<vmem>>
    %dma_start3A_64 = tpu.memref_squeeze %dma_start3A_63 : memref<1x8x4x512xf32, #tpu.memory_space<vmem>> -> memref<8x4x512xf32, #tpu.memory_space<vmem>>
    %dma_start3A_65 = arith.constant 0 : i32
    %dma_start3A_66 = arith.constant 0 : i32
    %dma_start3A_67 = tpu.memref_slice %arg3[%dma_start3A_65, %dma_start3A_66, %mul3A_2] : memref<200x4x16384xf32, #tpu.memory_space<hbm>> -> memref<8x4x512xf32, #tpu.memory_space<hbm>>
    %dma_start3A_68 = arith.constant 0 : i32
    %dma_start3A_69 = arith.constant 0 : i32
    %dma_start3A_70 = arith.constant 0 : i32
    %dma_start3A_71 = tpu.memref_slice %arg12[%dma_start3A_59, %dma_start3A_68, %dma_start3A_69, %dma_start3A_70] : memref<2x8x4x512xf32, #tpu.memory_space<vmem>> -> memref<1x8x4x512xf32, #tpu.memory_space<vmem>>
    %dma_start3A_72 = tpu.memref_squeeze %dma_start3A_71 : memref<1x8x4x512xf32, #tpu.memory_space<vmem>> -> memref<8x4x512xf32, #tpu.memory_space<vmem>>
    %dma_start3A_73 = arith.constant 0 : i32
    %dma_start3A_74 = arith.constant 0 : i32
    %dma_start3A_75 = tpu.memref_slice %arg3[%dma_start3A_73, %dma_start3A_74, %mul3A_2] : memref<200x4x16384xf32, #tpu.memory_space<hbm>> -> memref<8x4x512xf32, #tpu.memory_space<hbm>>
    tpu.enqueue_dma source(%dma_start3A_75 : memref<8x4x512xf32, #tpu.memory_space<hbm>>) target(%dma_start3A_72 : memref<8x4x512xf32, #tpu.memory_space<vmem>>) target_semaphore(%arg15 : memref<!tpu.dma_semaphore, #tpu.memory_space<semaphore_mem>>)
    %broadcast_in_dim3A = arith.constant 0.000000e+00 : f32
    %broadcast_in_dim3A_76 = vector.broadcast %broadcast_in_dim3A : f32 to vector<16xf32>
    %scan3A_77 = arith.constant 0 : i32
    %scan3A_78 = arith.constant 12 : i32
    %scan3A_79 = arith.addi %scan3A_77, %scan3A_78 : i32
    %scan3A_80 = arith.constant 1 : i32
    %scan3A_81 = scf.for %scan3A_184 = %scan3A_77 to %scan3A_79 step %scan3A_80 iter_args(%scan3A_185 = %broadcast_in_dim3A_76) -> (vector<16xf32>)  : i32 {
      %mul3A_186 = arith.constant 2 : i32
      %mul3A_187 = arith.muli %mul3A_186, %scan3A_184 : i32
      %add3A_188 = arith.constant 1 : i32
      %add3A_189 = arith.addi %mul3A_187, %add3A_188 : i32
      %mul3A_190 = arith.constant 8 : i32
      %mul3A_191 = arith.muli %add3A_189, %mul3A_190 : i32
      %dma_start3A_192 = arith.constant 1 : i32
      %dma_start3A_193 = arith.constant 0 : i32
      %dma_start3A_194 = arith.constant 0 : i32
      %dma_start3A_195 = tpu.memref_slice %arg11[%dma_start3A_192, %dma_start3A_193, %dma_start3A_194] : memref<2x8x512xi32, #tpu.memory_space<vmem>> -> memref<1x8x512xi32, #tpu.memory_space<vmem>>
      %dma_start3A_196 = tpu.memref_squeeze %dma_start3A_195 : memref<1x8x512xi32, #tpu.memory_space<vmem>> -> memref<8x512xi32, #tpu.memory_space<vmem>>
      %dma_start3A_197 = tpu.memref_slice %arg2[%mul3A_191, %mul3A_2] : memref<200x16384xi32, #tpu.memory_space<hbm>> -> memref<8x512xi32, #tpu.memory_space<hbm>>
      %dma_start3A_198 = arith.constant 0 : i32
      %dma_start3A_199 = arith.constant 0 : i32
      %dma_start3A_200 = tpu.memref_slice %arg11[%dma_start3A_192, %dma_start3A_198, %dma_start3A_199] : memref<2x8x512xi32, #tpu.memory_space<vmem>> -> memref<1x8x512xi32, #tpu.memory_space<vmem>>
      %dma_start3A_201 = tpu.memref_squeeze %dma_start3A_200 : memref<1x8x512xi32, #tpu.memory_space<vmem>> -> memref<8x512xi32, #tpu.memory_space<vmem>>
      %dma_start3A_202 = tpu.memref_slice %arg2[%mul3A_191, %mul3A_2] : memref<200x16384xi32, #tpu.memory_space<hbm>> -> memref<8x512xi32, #tpu.memory_space<hbm>>
      tpu.enqueue_dma source(%dma_start3A_202 : memref<8x512xi32, #tpu.memory_space<hbm>>) target(%dma_start3A_201 : memref<8x512xi32, #tpu.memory_space<vmem>>) target_semaphore(%arg16 : memref<!tpu.dma_semaphore, #tpu.memory_space<semaphore_mem>>)
      %dma_start3A_203 = arith.constant 1 : i32
      %dma_start3A_204 = arith.constant 0 : i32
      %dma_start3A_205 = arith.constant 0 : i32
      %dma_start3A_206 = arith.constant 0 : i32
      %dma_start3A_207 = tpu.memref_slice %arg12[%dma_start3A_203, %dma_start3A_204, %dma_start3A_205, %dma_start3A_206] : memref<2x8x4x512xf32, #tpu.memory_space<vmem>> -> memref<1x8x4x512xf32, #tpu.memory_space<vmem>>
      %dma_start3A_208 = tpu.memref_squeeze %dma_start3A_207 : memref<1x8x4x512xf32, #tpu.memory_space<vmem>> -> memref<8x4x512xf32, #tpu.memory_space<vmem>>
      %dma_start3A_209 = arith.constant 0 : i32
      %dma_start3A_210 = tpu.memref_slice %arg3[%mul3A_191, %dma_start3A_209, %mul3A_2] : memref<200x4x16384xf32, #tpu.memory_space<hbm>> -> memref<8x4x512xf32, #tpu.memory_space<hbm>>
      %dma_start3A_211 = arith.constant 0 : i32
      %dma_start3A_212 = arith.constant 0 : i32
      %dma_start3A_213 = arith.constant 0 : i32
      %dma_start3A_214 = tpu.memref_slice %arg12[%dma_start3A_203, %dma_start3A_211, %dma_start3A_212, %dma_start3A_213] : memref<2x8x4x512xf32, #tpu.memory_space<vmem>> -> memref<1x8x4x512xf32, #tpu.memory_space<vmem>>
      %dma_start3A_215 = tpu.memref_squeeze %dma_start3A_214 : memref<1x8x4x512xf32, #tpu.memory_space<vmem>> -> memref<8x4x512xf32, #tpu.memory_space<vmem>>
      %dma_start3A_216 = arith.constant 0 : i32
      %dma_start3A_217 = tpu.memref_slice %arg3[%mul3A_191, %dma_start3A_216, %mul3A_2] : memref<200x4x16384xf32, #tpu.memory_space<hbm>> -> memref<8x4x512xf32, #tpu.memory_space<hbm>>
      tpu.enqueue_dma source(%dma_start3A_217 : memref<8x4x512xf32, #tpu.memory_space<hbm>>) target(%dma_start3A_215 : memref<8x4x512xf32, #tpu.memory_space<vmem>>) target_semaphore(%arg16 : memref<!tpu.dma_semaphore, #tpu.memory_space<semaphore_mem>>)
      %mul3A_218 = arith.constant 8 : i32
      %mul3A_219 = arith.muli %mul3A_187, %mul3A_218 : i32
      %dma_wait3A_220 = arith.constant 0 : i32
      %dma_wait3A_221 = arith.constant 0 : i32
      %dma_wait3A_222 = arith.constant 0 : i32
      %dma_wait3A_223 = tpu.memref_slice %arg11[%dma_wait3A_220, %dma_wait3A_221, %dma_wait3A_222] : memref<2x8x512xi32, #tpu.memory_space<vmem>> -> memref<1x8x512xi32, #tpu.memory_space<vmem>>
      %dma_wait3A_224 = tpu.memref_squeeze %dma_wait3A_223 : memref<1x8x512xi32, #tpu.memory_space<vmem>> -> memref<8x512xi32, #tpu.memory_space<vmem>>
      %dma_wait3A_225 = tpu.memref_slice %arg2[%mul3A_219, %mul3A_2] : memref<200x16384xi32, #tpu.memory_space<hbm>> -> memref<8x512xi32, #tpu.memory_space<hbm>>
      %dma_wait3A_226 = arith.constant 0 : i32
      %dma_wait3A_227 = arith.constant 0 : i32
      %dma_wait3A_228 = tpu.memref_slice %arg11[%dma_wait3A_220, %dma_wait3A_226, %dma_wait3A_227] : memref<2x8x512xi32, #tpu.memory_space<vmem>> -> memref<1x8x512xi32, #tpu.memory_space<vmem>>
      %dma_wait3A_229 = tpu.memref_squeeze %dma_wait3A_228 : memref<1x8x512xi32, #tpu.memory_space<vmem>> -> memref<8x512xi32, #tpu.memory_space<vmem>>
      %dma_wait3A_230 = tpu.memref_slice %arg2[%mul3A_219, %mul3A_2] : memref<200x16384xi32, #tpu.memory_space<hbm>> -> memref<8x512xi32, #tpu.memory_space<hbm>>
      tpu.wait_dma2 semaphore(%arg15 : memref<!tpu.dma_semaphore, #tpu.memory_space<semaphore_mem>>) src(%dma_wait3A_230 : memref<8x512xi32, #tpu.memory_space<hbm>>) dst(%dma_wait3A_229 : memref<8x512xi32, #tpu.memory_space<vmem>>)
      %dma_wait3A_231 = arith.constant 0 : i32
      %dma_wait3A_232 = arith.constant 0 : i32
      %dma_wait3A_233 = arith.constant 0 : i32
      %dma_wait3A_234 = arith.constant 0 : i32
      %dma_wait3A_235 = tpu.memref_slice %arg12[%dma_wait3A_231, %dma_wait3A_232, %dma_wait3A_233, %dma_wait3A_234] : memref<2x8x4x512xf32, #tpu.memory_space<vmem>> -> memref<1x8x4x512xf32, #tpu.memory_space<vmem>>
      %dma_wait3A_236 = tpu.memref_squeeze %dma_wait3A_235 : memref<1x8x4x512xf32, #tpu.memory_space<vmem>> -> memref<8x4x512xf32, #tpu.memory_space<vmem>>
      %dma_wait3A_237 = arith.constant 0 : i32
      %dma_wait3A_238 = tpu.memref_slice %arg3[%mul3A_219, %dma_wait3A_237, %mul3A_2] : memref<200x4x16384xf32, #tpu.memory_space<hbm>> -> memref<8x4x512xf32, #tpu.memory_space<hbm>>
      %dma_wait3A_239 = arith.constant 0 : i32
      %dma_wait3A_240 = arith.constant 0 : i32
      %dma_wait3A_241 = arith.constant 0 : i32
      %dma_wait3A_242 = tpu.memref_slice %arg12[%dma_wait3A_231, %dma_wait3A_239, %dma_wait3A_240, %dma_wait3A_241] : memref<2x8x4x512xf32, #tpu.memory_space<vmem>> -> memref<1x8x4x512xf32, #tpu.memory_space<vmem>>
      %dma_wait3A_243 = tpu.memref_squeeze %dma_wait3A_242 : memref<1x8x4x512xf32, #tpu.memory_space<vmem>> -> memref<8x4x512xf32, #tpu.memory_space<vmem>>
      %dma_wait3A_244 = arith.constant 0 : i32
      %dma_wait3A_245 = tpu.memref_slice %arg3[%mul3A_219, %dma_wait3A_244, %mul3A_2] : memref<200x4x16384xf32, #tpu.memory_space<hbm>> -> memref<8x4x512xf32, #tpu.memory_space<hbm>>
      tpu.wait_dma2 semaphore(%arg15 : memref<!tpu.dma_semaphore, #tpu.memory_space<semaphore_mem>>) src(%dma_wait3A_245 : memref<8x4x512xf32, #tpu.memory_space<hbm>>) dst(%dma_wait3A_243 : memref<8x4x512xf32, #tpu.memory_space<vmem>>)
      %ge3A = arith.constant 1 : i32
      %ge3A_246 = arith.cmpi sge, %scan3A_184, %ge3A : i32
      %convert_element_type3A = arith.extui %ge3A_246 : i1 to i32
      %cond3A = arith.constant 0 : i32
      %cond3A_247 = arith.cmpi ne, %convert_element_type3A, %cond3A : i32
      scf.if %cond3A_247 {
        %mul3A_359 = arith.constant 8 : i32
        %mul3A_360 = arith.muli %mul3A_187, %mul3A_359 : i32
        %dma_wait3A_361 = arith.constant 0 : i32
        %dma_wait3A_362 = arith.constant 0 : i32
        %dma_wait3A_363 = arith.constant 0 : i32
        %dma_wait3A_364 = arith.constant 0 : i32
        %dma_wait3A_365 = tpu.memref_slice %arg13[%dma_wait3A_361, %dma_wait3A_362, %dma_wait3A_363, %dma_wait3A_364] : memref<2x8x4x512xf32, #tpu.memory_space<vmem>> -> memref<1x8x4x512xf32, #tpu.memory_space<vmem>>
        %dma_wait3A_366 = tpu.memref_squeeze %dma_wait3A_365 : memref<1x8x4x512xf32, #tpu.memory_space<vmem>> -> memref<8x4x512xf32, #tpu.memory_space<vmem>>
        %dma_wait3A_367 = arith.constant 0 : i32
        %dma_wait3A_368 = tpu.memref_slice %arg6[%mul3A_360, %dma_wait3A_367, %mul3A_2] : memref<200x4x16384xf32, #tpu.memory_space<hbm>> -> memref<8x4x512xf32, #tpu.memory_space<hbm>>
        %dma_wait3A_369 = arith.constant 0 : i32
        %dma_wait3A_370 = tpu.memref_slice %arg6[%mul3A_360, %dma_wait3A_369, %mul3A_2] : memref<200x4x16384xf32, #tpu.memory_space<hbm>> -> memref<8x4x512xf32, #tpu.memory_space<hbm>>
        %dma_wait3A_371 = arith.constant 0 : i32
        %dma_wait3A_372 = arith.constant 0 : i32
        %dma_wait3A_373 = arith.constant 0 : i32
        %dma_wait3A_374 = tpu.memref_slice %arg13[%dma_wait3A_361, %dma_wait3A_371, %dma_wait3A_372, %dma_wait3A_373] : memref<2x8x4x512xf32, #tpu.memory_space<vmem>> -> memref<1x8x4x512xf32, #tpu.memory_space<vmem>>
        %dma_wait3A_375 = tpu.memref_squeeze %dma_wait3A_374 : memref<1x8x4x512xf32, #tpu.memory_space<vmem>> -> memref<8x4x512xf32, #tpu.memory_space<vmem>>
        tpu.wait_dma2 semaphore(%arg17 : memref<!tpu.dma_semaphore, #tpu.memory_space<semaphore_mem>>) src(%dma_wait3A_375 : memref<8x4x512xf32, #tpu.memory_space<vmem>>) dst(%dma_wait3A_370 : memref<8x4x512xf32, #tpu.memory_space<hbm>>)
      } else {
      }
      %parallel_loop3A_248 = arith.constant 0 : i32
      %parallel_loop3A_249 = arith.constant 256 : i32
      %parallel_loop3A_250 = arith.constant 1 : i32
      %parallel_loop3A_251 = scf.for %parallel_loop3A_359 = %parallel_loop3A_248 to %parallel_loop3A_249 step %parallel_loop3A_250 iter_args(%parallel_loop3A_360 = %scan3A_185) -> (vector<16xf32>)  : i32 {
        %parallel_loop3A_361 = arith.constant 32 : i32
        %parallel_loop3A_362 = arith.divsi %parallel_loop3A_359, %parallel_loop3A_361 : i32
        %parallel_loop3A_363 = arith.constant 0 : i32
        %parallel_loop3A_364 = arith.cmpi sgt, %parallel_loop3A_359, %parallel_loop3A_363 : i32
        %parallel_loop3A_365 = arith.extui %parallel_loop3A_364 : i1 to i32
        %parallel_loop3A_366 = arith.constant 0 : i32
        %parallel_loop3A_367 = arith.cmpi slt, %parallel_loop3A_359, %parallel_loop3A_366 : i32
        %parallel_loop3A_368 = arith.extui %parallel_loop3A_367 : i1 to i32
        %parallel_loop3A_369 = arith.subi %parallel_loop3A_365, %parallel_loop3A_368 : i32
        %parallel_loop3A_370 = arith.constant 0 : i32
        %parallel_loop3A_371 = arith.cmpi sgt, %parallel_loop3A_361, %parallel_loop3A_370 : i32
        %parallel_loop3A_372 = arith.extui %parallel_loop3A_371 : i1 to i32
        %parallel_loop3A_373 = arith.constant 0 : i32
        %parallel_loop3A_374 = arith.cmpi slt, %parallel_loop3A_361, %parallel_loop3A_373 : i32
        %parallel_loop3A_375 = arith.extui %parallel_loop3A_374 : i1 to i32
        %parallel_loop3A_376 = arith.subi %parallel_loop3A_372, %parallel_loop3A_375 : i32
        %parallel_loop3A_377 = arith.cmpi ne, %parallel_loop3A_369, %parallel_loop3A_376 : i32
        %parallel_loop3A_378 = arith.remsi %parallel_loop3A_359, %parallel_loop3A_361 : i32
        %parallel_loop3A_379 = arith.constant 0 : i32
        %parallel_loop3A_380 = arith.cmpi ne, %parallel_loop3A_378, %parallel_loop3A_379 : i32
        %parallel_loop3A_381 = arith.andi %parallel_loop3A_377, %parallel_loop3A_380 : i1
        %parallel_loop3A_382 = arith.constant 1 : i32
        %parallel_loop3A_383 = arith.subi %parallel_loop3A_362, %parallel_loop3A_382 : i32
        %parallel_loop3A_384 = arith.select %parallel_loop3A_381, %parallel_loop3A_383, %parallel_loop3A_362 : i32
        %parallel_loop3A_385 = arith.constant 32 : i32
        %parallel_loop3A_386 = arith.constant 0 : i32
        %parallel_loop3A_387 = arith.cmpi eq, %parallel_loop3A_385, %parallel_loop3A_386 : i32
        %parallel_loop3A_388 = arith.constant 1 : i32
        %parallel_loop3A_389 = arith.select %parallel_loop3A_387, %parallel_loop3A_388, %parallel_loop3A_385 : i32
        %parallel_loop3A_390 = arith.remsi %parallel_loop3A_359, %parallel_loop3A_389 : i32
        %parallel_loop3A_391 = arith.constant 0 : i32
        %parallel_loop3A_392 = arith.cmpi ne, %parallel_loop3A_390, %parallel_loop3A_391 : i32
        %parallel_loop3A_393 = arith.constant 0 : i32
        %parallel_loop3A_394 = arith.cmpi slt, %parallel_loop3A_390, %parallel_loop3A_393 : i32
        %parallel_loop3A_395 = arith.constant 0 : i32
        %parallel_loop3A_396 = arith.cmpi slt, %parallel_loop3A_389, %parallel_loop3A_395 : i32
        %parallel_loop3A_397 = arith.xori %parallel_loop3A_394, %parallel_loop3A_396 : i1
        %parallel_loop3A_398 = arith.andi %parallel_loop3A_397, %parallel_loop3A_392 : i1
        %parallel_loop3A_399 = arith.addi %parallel_loop3A_390, %parallel_loop3A_389 : i32
        %parallel_loop3A_400 = arith.select %parallel_loop3A_398, %parallel_loop3A_399, %parallel_loop3A_390 : i32
        %parallel_loop3A_401 = arith.constant 16 : i32
        %parallel_loop3A_402 = arith.muli %parallel_loop3A_400, %parallel_loop3A_401 : i32
        %parallel_loop3A_403 = arith.constant 0 : i32
        %parallel_loop3A_404 = arith.index_cast %parallel_loop3A_403 : i32 to index
        %parallel_loop3A_405 = arith.index_cast %parallel_loop3A_384 : i32 to index
        %parallel_loop3A_406 = arith.index_cast %parallel_loop3A_402 : i32 to index
        %parallel_loop3A_407 = tpu.vector_load %arg11[%parallel_loop3A_404, %parallel_loop3A_405, %parallel_loop3A_406] {strides = array<i32>} : memref<2x8x512xi32, #tpu.memory_space<vmem>>, vector<16xi32>,
        %parallel_loop3A_408 = arith.constant 4 : i32
        %parallel_loop3A_409 = vector.broadcast %parallel_loop3A_408 : i32 to vector<16xi32>
        %parallel_loop3A_410 = arith.muli %parallel_loop3A_407, %parallel_loop3A_409 : vector<16xi32>
        %parallel_loop3A_411 = arith.constant 0 : i32
        %parallel_loop3A_412 = vector.broadcast %parallel_loop3A_411 : i32 to vector<16xi32>
        %parallel_loop3A_413 = arith.addi %parallel_loop3A_410, %parallel_loop3A_412 : vector<16xi32>
        %parallel_loop3A_414 = tpu.vector_load_idx %arg8[%parallel_loop3A_413] : memref<1024xf32, #tpu.memory_space<vmem>>[vector<16xi32>], vector<16xf32>,
        %parallel_loop3A_415 = arith.constant 0 : i32
        %parallel_loop3A_416 = arith.constant 0 : i32
        %parallel_loop3A_417 = arith.index_cast %parallel_loop3A_415 : i32 to index
        %parallel_loop3A_418 = arith.index_cast %parallel_loop3A_384 : i32 to index
        %parallel_loop3A_419 = arith.index_cast %parallel_loop3A_416 : i32 to index
        %parallel_loop3A_420 = arith.index_cast %parallel_loop3A_402 : i32 to index
        %parallel_loop3A_421 = tpu.vector_load %arg12[%parallel_loop3A_417, %parallel_loop3A_418, %parallel_loop3A_419, %parallel_loop3A_420] {strides = array<i32>} : memref<2x8x4x512xf32, #tpu.memory_space<vmem>>, vector<16xf32>,
        %parallel_loop3A_422 = arith.constant 0 : i32
        %parallel_loop3A_423 = arith.constant 0 : i32
        %parallel_loop3A_424 = arith.index_cast %parallel_loop3A_422 : i32 to index
        %parallel_loop3A_425 = arith.index_cast %parallel_loop3A_384 : i32 to index
        %parallel_loop3A_426 = arith.index_cast %parallel_loop3A_423 : i32 to index
        %parallel_loop3A_427 = arith.index_cast %parallel_loop3A_402 : i32 to index
        %parallel_loop3A_428 = tpu.vector_load %arg13[%parallel_loop3A_424, %parallel_loop3A_425, %parallel_loop3A_426, %parallel_loop3A_427] {strides = array<i32>} : memref<2x8x4x512xf32, #tpu.memory_space<vmem>>, vector<16xf32>,
        tpu.vector_store %arg13[%parallel_loop3A_424, %parallel_loop3A_425, %parallel_loop3A_426, %parallel_loop3A_427], %parallel_loop3A_414 {strides = array<i32>} : memref<2x8x4x512xf32, #tpu.memory_space<vmem>>, vector<16xf32>,
        %parallel_loop3A_429 = arith.mulf %parallel_loop3A_414, %parallel_loop3A_421 : vector<16xf32>
        %parallel_loop3A_430 = arith.constant 1 : i32
        %parallel_loop3A_431 = vector.broadcast %parallel_loop3A_430 : i32 to vector<16xi32>
        %parallel_loop3A_432 = arith.addi %parallel_loop3A_410, %parallel_loop3A_431 : vector<16xi32>
        %parallel_loop3A_433 = tpu.vector_load_idx %arg8[%parallel_loop3A_432] : memref<1024xf32, #tpu.memory_space<vmem>>[vector<16xi32>], vector<16xf32>,
        %parallel_loop3A_434 = arith.constant 0 : i32
        %parallel_loop3A_435 = arith.constant 1 : i32
        %parallel_loop3A_436 = arith.index_cast %parallel_loop3A_434 : i32 to index
        %parallel_loop3A_437 = arith.index_cast %parallel_loop3A_384 : i32 to index
        %parallel_loop3A_438 = arith.index_cast %parallel_loop3A_435 : i32 to index
        %parallel_loop3A_439 = arith.index_cast %parallel_loop3A_402 : i32 to index
        %parallel_loop3A_440 = tpu.vector_load %arg12[%parallel_loop3A_436, %parallel_loop3A_437, %parallel_loop3A_438, %parallel_loop3A_439] {strides = array<i32>} : memref<2x8x4x512xf32, #tpu.memory_space<vmem>>, vector<16xf32>,
        %parallel_loop3A_441 = arith.constant 0 : i32
        %parallel_loop3A_442 = arith.constant 1 : i32
        %parallel_loop3A_443 = arith.index_cast %parallel_loop3A_441 : i32 to index
        %parallel_loop3A_444 = arith.index_cast %parallel_loop3A_384 : i32 to index
        %parallel_loop3A_445 = arith.index_cast %parallel_loop3A_442 : i32 to index
        %parallel_loop3A_446 = arith.index_cast %parallel_loop3A_402 : i32 to index
        %parallel_loop3A_447 = tpu.vector_load %arg13[%parallel_loop3A_443, %parallel_loop3A_444, %parallel_loop3A_445, %parallel_loop3A_446] {strides = array<i32>} : memref<2x8x4x512xf32, #tpu.memory_space<vmem>>, vector<16xf32>,
        tpu.vector_store %arg13[%parallel_loop3A_443, %parallel_loop3A_444, %parallel_loop3A_445, %parallel_loop3A_446], %parallel_loop3A_433 {strides = array<i32>} : memref<2x8x4x512xf32, #tpu.memory_space<vmem>>, vector<16xf32>,
        %parallel_loop3A_448 = arith.mulf %parallel_loop3A_433, %parallel_loop3A_440 : vector<16xf32>
        %parallel_loop3A_449 = arith.addf %parallel_loop3A_429, %parallel_loop3A_448 : vector<16xf32>
        %parallel_loop3A_450 = arith.constant 2 : i32
        %parallel_loop3A_451 = vector.broadcast %parallel_loop3A_450 : i32 to vector<16xi32>
        %parallel_loop3A_452 = arith.addi %parallel_loop3A_410, %parallel_loop3A_451 : vector<16xi32>
        %parallel_loop3A_453 = tpu.vector_load_idx %arg8[%parallel_loop3A_452] : memref<1024xf32, #tpu.memory_space<vmem>>[vector<16xi32>], vector<16xf32>,
        %parallel_loop3A_454 = arith.constant 0 : i32
        %parallel_loop3A_455 = arith.constant 2 : i32
        %parallel_loop3A_456 = arith.index_cast %parallel_loop3A_454 : i32 to index
        %parallel_loop3A_457 = arith.index_cast %parallel_loop3A_384 : i32 to index
        %parallel_loop3A_458 = arith.index_cast %parallel_loop3A_455 : i32 to index
        %parallel_loop3A_459 = arith.index_cast %parallel_loop3A_402 : i32 to index
        %parallel_loop3A_460 = tpu.vector_load %arg12[%parallel_loop3A_456, %parallel_loop3A_457, %parallel_loop3A_458, %parallel_loop3A_459] {strides = array<i32>} : memref<2x8x4x512xf32, #tpu.memory_space<vmem>>, vector<16xf32>,
        %parallel_loop3A_461 = arith.constant 0 : i32
        %parallel_loop3A_462 = arith.constant 2 : i32
        %parallel_loop3A_463 = arith.index_cast %parallel_loop3A_461 : i32 to index
        %parallel_loop3A_464 = arith.index_cast %parallel_loop3A_384 : i32 to index
        %parallel_loop3A_465 = arith.index_cast %parallel_loop3A_462 : i32 to index
        %parallel_loop3A_466 = arith.index_cast %parallel_loop3A_402 : i32 to index
        %parallel_loop3A_467 = tpu.vector_load %arg13[%parallel_loop3A_463, %parallel_loop3A_464, %parallel_loop3A_465, %parallel_loop3A_466] {strides = array<i32>} : memref<2x8x4x512xf32, #tpu.memory_space<vmem>>, vector<16xf32>,
        tpu.vector_store %arg13[%parallel_loop3A_463, %parallel_loop3A_464, %parallel_loop3A_465, %parallel_loop3A_466], %parallel_loop3A_453 {strides = array<i32>} : memref<2x8x4x512xf32, #tpu.memory_space<vmem>>, vector<16xf32>,
        %parallel_loop3A_468 = arith.mulf %parallel_loop3A_453, %parallel_loop3A_460 : vector<16xf32>
        %parallel_loop3A_469 = arith.addf %parallel_loop3A_449, %parallel_loop3A_468 : vector<16xf32>
        %parallel_loop3A_470 = arith.constant 3 : i32
        %parallel_loop3A_471 = vector.broadcast %parallel_loop3A_470 : i32 to vector<16xi32>
        %parallel_loop3A_472 = arith.addi %parallel_loop3A_410, %parallel_loop3A_471 : vector<16xi32>
        %parallel_loop3A_473 = tpu.vector_load_idx %arg8[%parallel_loop3A_472] : memref<1024xf32, #tpu.memory_space<vmem>>[vector<16xi32>], vector<16xf32>,
        %parallel_loop3A_474 = arith.constant 0 : i32
        %parallel_loop3A_475 = arith.constant 3 : i32
        %parallel_loop3A_476 = arith.index_cast %parallel_loop3A_474 : i32 to index
        %parallel_loop3A_477 = arith.index_cast %parallel_loop3A_384 : i32 to index
        %parallel_loop3A_478 = arith.index_cast %parallel_loop3A_475 : i32 to index
        %parallel_loop3A_479 = arith.index_cast %parallel_loop3A_402 : i32 to index
        %parallel_loop3A_480 = tpu.vector_load %arg12[%parallel_loop3A_476, %parallel_loop3A_477, %parallel_loop3A_478, %parallel_loop3A_479] {strides = array<i32>} : memref<2x8x4x512xf32, #tpu.memory_space<vmem>>, vector<16xf32>,
        %parallel_loop3A_481 = arith.constant 0 : i32
        %parallel_loop3A_482 = arith.constant 3 : i32
        %parallel_loop3A_483 = arith.index_cast %parallel_loop3A_481 : i32 to index
        %parallel_loop3A_484 = arith.index_cast %parallel_loop3A_384 : i32 to index
        %parallel_loop3A_485 = arith.index_cast %parallel_loop3A_482 : i32 to index
        %parallel_loop3A_486 = arith.index_cast %parallel_loop3A_402 : i32 to index
        %parallel_loop3A_487 = tpu.vector_load %arg13[%parallel_loop3A_483, %parallel_loop3A_484, %parallel_loop3A_485, %parallel_loop3A_486] {strides = array<i32>} : memref<2x8x4x512xf32, #tpu.memory_space<vmem>>, vector<16xf32>,
        tpu.vector_store %arg13[%parallel_loop3A_483, %parallel_loop3A_484, %parallel_loop3A_485, %parallel_loop3A_486], %parallel_loop3A_473 {strides = array<i32>} : memref<2x8x4x512xf32, #tpu.memory_space<vmem>>, vector<16xf32>,
        %parallel_loop3A_488 = arith.mulf %parallel_loop3A_473, %parallel_loop3A_480 : vector<16xf32>
        %parallel_loop3A_489 = arith.addf %parallel_loop3A_469, %parallel_loop3A_488 : vector<16xf32>
        %parallel_loop3A_490 = arith.mulf %parallel_loop3A_489, %parallel_loop3A_489 : vector<16xf32>
        %parallel_loop3A_491 = arith.addf %parallel_loop3A_360, %parallel_loop3A_490 : vector<16xf32>
        scf.yield %parallel_loop3A_491 : vector<16xf32>
      } {sc.loop_unroll_factor = 8 : i64, sc.parallel_access}
      %mul3A_252 = arith.constant 8 : i32
      %mul3A_253 = arith.muli %mul3A_187, %mul3A_252 : i32
      %dma_start3A_254 = arith.constant 0 : i32
      %dma_start3A_255 = arith.constant 0 : i32
      %dma_start3A_256 = arith.constant 0 : i32
      %dma_start3A_257 = arith.constant 0 : i32
      %dma_start3A_258 = tpu.memref_slice %arg13[%dma_start3A_254, %dma_start3A_255, %dma_start3A_256, %dma_start3A_257] : memref<2x8x4x512xf32, #tpu.memory_space<vmem>> -> memref<1x8x4x512xf32, #tpu.memory_space<vmem>>
      %dma_start3A_259 = tpu.memref_squeeze %dma_start3A_258 : memref<1x8x4x512xf32, #tpu.memory_space<vmem>> -> memref<8x4x512xf32, #tpu.memory_space<vmem>>
      %dma_start3A_260 = arith.constant 0 : i32
      %dma_start3A_261 = tpu.memref_slice %arg6[%mul3A_253, %dma_start3A_260, %mul3A_2] : memref<200x4x16384xf32, #tpu.memory_space<hbm>> -> memref<8x4x512xf32, #tpu.memory_space<hbm>>
      %dma_start3A_262 = arith.constant 0 : i32
      %dma_start3A_263 = tpu.memref_slice %arg6[%mul3A_253, %dma_start3A_262, %mul3A_2] : memref<200x4x16384xf32, #tpu.memory_space<hbm>> -> memref<8x4x512xf32, #tpu.memory_space<hbm>>
      %dma_start3A_264 = arith.constant 0 : i32
      %dma_start3A_265 = arith.constant 0 : i32
      %dma_start3A_266 = arith.constant 0 : i32
      %dma_start3A_267 = tpu.memref_slice %arg13[%dma_start3A_254, %dma_start3A_264, %dma_start3A_265, %dma_start3A_266] : memref<2x8x4x512xf32, #tpu.memory_space<vmem>> -> memref<1x8x4x512xf32, #tpu.memory_space<vmem>>
      %dma_start3A_268 = tpu.memref_squeeze %dma_start3A_267 : memref<1x8x4x512xf32, #tpu.memory_space<vmem>> -> memref<8x4x512xf32, #tpu.memory_space<vmem>>
      tpu.enqueue_dma source(%dma_start3A_268 : memref<8x4x512xf32, #tpu.memory_space<vmem>>) target(%dma_start3A_263 : memref<8x4x512xf32, #tpu.memory_space<hbm>>) target_semaphore(%arg17 : memref<!tpu.dma_semaphore, #tpu.memory_space<semaphore_mem>>)
      %add3A_269 = arith.constant 2 : i32
      %add3A_270 = arith.addi %mul3A_187, %add3A_269 : i32
      %mul3A_271 = arith.constant 8 : i32
      %mul3A_272 = arith.muli %add3A_270, %mul3A_271 : i32
      %dma_start3A_273 = arith.constant 0 : i32
      %dma_start3A_274 = arith.constant 0 : i32
      %dma_start3A_275 = arith.constant 0 : i32
      %dma_start3A_276 = tpu.memref_slice %arg11[%dma_start3A_273, %dma_start3A_274, %dma_start3A_275] : memref<2x8x512xi32, #tpu.memory_space<vmem>> -> memref<1x8x512xi32, #tpu.memory_space<vmem>>
      %dma_start3A_277 = tpu.memref_squeeze %dma_start3A_276 : memref<1x8x512xi32, #tpu.memory_space<vmem>> -> memref<8x512xi32, #tpu.memory_space<vmem>>
      %dma_start3A_278 = tpu.memref_slice %arg2[%mul3A_272, %mul3A_2] : memref<200x16384xi32, #tpu.memory_space<hbm>> -> memref<8x512xi32, #tpu.memory_space<hbm>>
      %dma_start3A_279 = arith.constant 0 : i32
      %dma_start3A_280 = arith.constant 0 : i32
      %dma_start3A_281 = tpu.memref_slice %arg11[%dma_start3A_273, %dma_start3A_279, %dma_start3A_280] : memref<2x8x512xi32, #tpu.memory_space<vmem>> -> memref<1x8x512xi32, #tpu.memory_space<vmem>>
      %dma_start3A_282 = tpu.memref_squeeze %dma_start3A_281 : memref<1x8x512xi32, #tpu.memory_space<vmem>> -> memref<8x512xi32, #tpu.memory_space<vmem>>
      %dma_start3A_283 = tpu.memref_slice %arg2[%mul3A_272, %mul3A_2] : memref<200x16384xi32, #tpu.memory_space<hbm>> -> memref<8x512xi32, #tpu.memory_space<hbm>>
      tpu.enqueue_dma source(%dma_start3A_283 : memref<8x512xi32, #tpu.memory_space<hbm>>) target(%dma_start3A_282 : memref<8x512xi32, #tpu.memory_space<vmem>>) target_semaphore(%arg15 : memref<!tpu.dma_semaphore, #tpu.memory_space<semaphore_mem>>)
      %dma_start3A_284 = arith.constant 0 : i32
      %dma_start3A_285 = arith.constant 0 : i32
      %dma_start3A_286 = arith.constant 0 : i32
      %dma_start3A_287 = arith.constant 0 : i32
      %dma_start3A_288 = tpu.memref_slice %arg12[%dma_start3A_284, %dma_start3A_285, %dma_start3A_286, %dma_start3A_287] : memref<2x8x4x512xf32, #tpu.memory_space<vmem>> -> memref<1x8x4x512xf32, #tpu.memory_space<vmem>>
      %dma_start3A_289 = tpu.memref_squeeze %dma_start3A_288 : memref<1x8x4x512xf32, #tpu.memory_space<vmem>> -> memref<8x4x512xf32, #tpu.memory_space<vmem>>
      %dma_start3A_290 = arith.constant 0 : i32
      %dma_start3A_291 = tpu.memref_slice %arg3[%mul3A_272, %dma_start3A_290, %mul3A_2] : memref<200x4x16384xf32, #tpu.memory_space<hbm>> -> memref<8x4x512xf32, #tpu.memory_space<hbm>>
      %dma_start3A_292 = arith.constant 0 : i32
      %dma_start3A_293 = arith.constant 0 : i32
      %dma_start3A_294 = arith.constant 0 : i32
      %dma_start3A_295 = tpu.memref_slice %arg12[%dma_start3A_284, %dma_start3A_292, %dma_start3A_293, %dma_start3A_294] : memref<2x8x4x512xf32, #tpu.memory_space<vmem>> -> memref<1x8x4x512xf32, #tpu.memory_space<vmem>>
      %dma_start3A_296 = tpu.memref_squeeze %dma_start3A_295 : memref<1x8x4x512xf32, #tpu.memory_space<vmem>> -> memref<8x4x512xf32, #tpu.memory_space<vmem>>
      %dma_start3A_297 = arith.constant 0 : i32
      %dma_start3A_298 = tpu.memref_slice %arg3[%mul3A_272, %dma_start3A_297, %mul3A_2] : memref<200x4x16384xf32, #tpu.memory_space<hbm>> -> memref<8x4x512xf32, #tpu.memory_space<hbm>>
      tpu.enqueue_dma source(%dma_start3A_298 : memref<8x4x512xf32, #tpu.memory_space<hbm>>) target(%dma_start3A_296 : memref<8x4x512xf32, #tpu.memory_space<vmem>>) target_semaphore(%arg15 : memref<!tpu.dma_semaphore, #tpu.memory_space<semaphore_mem>>)
      %add3A_299 = arith.constant 1 : i32
      %add3A_300 = arith.addi %mul3A_187, %add3A_299 : i32
      %mul3A_301 = arith.constant 8 : i32
      %mul3A_302 = arith.muli %add3A_300, %mul3A_301 : i32
      %dma_wait3A_303 = arith.constant 1 : i32
      %dma_wait3A_304 = arith.constant 0 : i32
      %dma_wait3A_305 = arith.constant 0 : i32
      %dma_wait3A_306 = tpu.memref_slice %arg11[%dma_wait3A_303, %dma_wait3A_304, %dma_wait3A_305] : memref<2x8x512xi32, #tpu.memory_space<vmem>> -> memref<1x8x512xi32, #tpu.memory_space<vmem>>
      %dma_wait3A_307 = tpu.memref_squeeze %dma_wait3A_306 : memref<1x8x512xi32, #tpu.memory_space<vmem>> -> memref<8x512xi32, #tpu.memory_space<vmem>>
      %dma_wait3A_308 = tpu.memref_slice %arg2[%mul3A_302, %mul3A_2] : memref<200x16384xi32, #tpu.memory_space<hbm>> -> memref<8x512xi32, #tpu.memory_space<hbm>>
      %dma_wait3A_309 = arith.constant 0 : i32
      %dma_wait3A_310 = arith.constant 0 : i32
      %dma_wait3A_311 = tpu.memref_slice %arg11[%dma_wait3A_303, %dma_wait3A_309, %dma_wait3A_310] : memref<2x8x512xi32, #tpu.memory_space<vmem>> -> memref<1x8x512xi32, #tpu.memory_space<vmem>>
      %dma_wait3A_312 = tpu.memref_squeeze %dma_wait3A_311 : memref<1x8x512xi32, #tpu.memory_space<vmem>> -> memref<8x512xi32, #tpu.memory_space<vmem>>
      %dma_wait3A_313 = tpu.memref_slice %arg2[%mul3A_302, %mul3A_2] : memref<200x16384xi32, #tpu.memory_space<hbm>> -> memref<8x512xi32, #tpu.memory_space<hbm>>
      tpu.wait_dma2 semaphore(%arg16 : memref<!tpu.dma_semaphore, #tpu.memory_space<semaphore_mem>>) src(%dma_wait3A_313 : memref<8x512xi32, #tpu.memory_space<hbm>>) dst(%dma_wait3A_312 : memref<8x512xi32, #tpu.memory_space<vmem>>)
      %dma_wait3A_314 = arith.constant 1 : i32
      %dma_wait3A_315 = arith.constant 0 : i32
      %dma_wait3A_316 = arith.constant 0 : i32
      %dma_wait3A_317 = arith.constant 0 : i32
      %dma_wait3A_318 = tpu.memref_slice %arg12[%dma_wait3A_314, %dma_wait3A_315, %dma_wait3A_316, %dma_wait3A_317] : memref<2x8x4x512xf32, #tpu.memory_space<vmem>> -> memref<1x8x4x512xf32, #tpu.memory_space<vmem>>
      %dma_wait3A_319 = tpu.memref_squeeze %dma_wait3A_318 : memref<1x8x4x512xf32, #tpu.memory_space<vmem>> -> memref<8x4x512xf32, #tpu.memory_space<vmem>>
      %dma_wait3A_320 = arith.constant 0 : i32
      %dma_wait3A_321 = tpu.memref_slice %arg3[%mul3A_302, %dma_wait3A_320, %mul3A_2] : memref<200x4x16384xf32, #tpu.memory_space<hbm>> -> memref<8x4x512xf32, #tpu.memory_space<hbm>>
      %dma_wait3A_322 = arith.constant 0 : i32
      %dma_wait3A_323 = arith.constant 0 : i32
      %dma_wait3A_324 = arith.constant 0 : i32
      %dma_wait3A_325 = tpu.memref_slice %arg12[%dma_wait3A_314, %dma_wait3A_322, %dma_wait3A_323, %dma_wait3A_324] : memref<2x8x4x512xf32, #tpu.memory_space<vmem>> -> memref<1x8x4x512xf32, #tpu.memory_space<vmem>>
      %dma_wait3A_326 = tpu.memref_squeeze %dma_wait3A_325 : memref<1x8x4x512xf32, #tpu.memory_space<vmem>> -> memref<8x4x512xf32, #tpu.memory_space<vmem>>
      %dma_wait3A_327 = arith.constant 0 : i32
      %dma_wait3A_328 = tpu.memref_slice %arg3[%mul3A_302, %dma_wait3A_327, %mul3A_2] : memref<200x4x16384xf32, #tpu.memory_space<hbm>> -> memref<8x4x512xf32, #tpu.memory_space<hbm>>
      tpu.wait_dma2 semaphore(%arg16 : memref<!tpu.dma_semaphore, #tpu.memory_space<semaphore_mem>>) src(%dma_wait3A_328 : memref<8x4x512xf32, #tpu.memory_space<hbm>>) dst(%dma_wait3A_326 : memref<8x4x512xf32, #tpu.memory_space<vmem>>)
      %ge3A_329 = arith.constant 1 : i32
      %ge3A_330 = arith.cmpi sge, %scan3A_184, %ge3A_329 : i32
      %convert_element_type3A_331 = arith.extui %ge3A_330 : i1 to i32
      %cond3A_332 = arith.constant 0 : i32
      %cond3A_333 = arith.cmpi ne, %convert_element_type3A_331, %cond3A_332 : i32
      scf.if %cond3A_333 {
        %add3A_359 = arith.constant 1 : i32
        %add3A_360 = arith.addi %mul3A_187, %add3A_359 : i32
        %mul3A_361 = arith.constant 8 : i32
        %mul3A_362 = arith.muli %add3A_360, %mul3A_361 : i32
        %dma_wait3A_363 = arith.constant 1 : i32
        %dma_wait3A_364 = arith.constant 0 : i32
        %dma_wait3A_365 = arith.constant 0 : i32
        %dma_wait3A_366 = arith.constant 0 : i32
        %dma_wait3A_367 = tpu.memref_slice %arg13[%dma_wait3A_363, %dma_wait3A_364, %dma_wait3A_365, %dma_wait3A_366] : memref<2x8x4x512xf32, #tpu.memory_space<vmem>> -> memref<1x8x4x512xf32, #tpu.memory_space<vmem>>
        %dma_wait3A_368 = tpu.memref_squeeze %dma_wait3A_367 : memref<1x8x4x512xf32, #tpu.memory_space<vmem>> -> memref<8x4x512xf32, #tpu.memory_space<vmem>>
        %dma_wait3A_369 = arith.constant 0 : i32
        %dma_wait3A_370 = tpu.memref_slice %arg6[%mul3A_362, %dma_wait3A_369, %mul3A_2] : memref<200x4x16384xf32, #tpu.memory_space<hbm>> -> memref<8x4x512xf32, #tpu.memory_space<hbm>>
        %dma_wait3A_371 = arith.constant 0 : i32
        %dma_wait3A_372 = tpu.memref_slice %arg6[%mul3A_362, %dma_wait3A_371, %mul3A_2] : memref<200x4x16384xf32, #tpu.memory_space<hbm>> -> memref<8x4x512xf32, #tpu.memory_space<hbm>>
        %dma_wait3A_373 = arith.constant 0 : i32
        %dma_wait3A_374 = arith.constant 0 : i32
        %dma_wait3A_375 = arith.constant 0 : i32
        %dma_wait3A_376 = tpu.memref_slice %arg13[%dma_wait3A_363, %dma_wait3A_373, %dma_wait3A_374, %dma_wait3A_375] : memref<2x8x4x512xf32, #tpu.memory_space<vmem>> -> memref<1x8x4x512xf32, #tpu.memory_space<vmem>>
        %dma_wait3A_377 = tpu.memref_squeeze %dma_wait3A_376 : memref<1x8x4x512xf32, #tpu.memory_space<vmem>> -> memref<8x4x512xf32, #tpu.memory_space<vmem>>
        tpu.wait_dma2 semaphore(%arg18 : memref<!tpu.dma_semaphore, #tpu.memory_space<semaphore_mem>>) src(%dma_wait3A_377 : memref<8x4x512xf32, #tpu.memory_space<vmem>>) dst(%dma_wait3A_372 : memref<8x4x512xf32, #tpu.memory_space<hbm>>)
      } else {
      }
      %add3A_334 = arith.constant 1 : i32
      %add3A_335 = arith.addi %mul3A_187, %add3A_334 : i32
      %parallel_loop3A_336 = arith.constant 0 : i32
      %parallel_loop3A_337 = arith.constant 256 : i32
      %parallel_loop3A_338 = arith.constant 1 : i32
      %parallel_loop3A_339 = scf.for %parallel_loop3A_359 = %parallel_loop3A_336 to %parallel_loop3A_337 step %parallel_loop3A_338 iter_args(%parallel_loop3A_360 = %parallel_loop3A_251) -> (vector<16xf32>)  : i32 {
        %parallel_loop3A_361 = arith.constant 32 : i32
        %parallel_loop3A_362 = arith.divsi %parallel_loop3A_359, %parallel_loop3A_361 : i32
        %parallel_loop3A_363 = arith.constant 0 : i32
        %parallel_loop3A_364 = arith.cmpi sgt, %parallel_loop3A_359, %parallel_loop3A_363 : i32
        %parallel_loop3A_365 = arith.extui %parallel_loop3A_364 : i1 to i32
        %parallel_loop3A_366 = arith.constant 0 : i32
        %parallel_loop3A_367 = arith.cmpi slt, %parallel_loop3A_359, %parallel_loop3A_366 : i32
        %parallel_loop3A_368 = arith.extui %parallel_loop3A_367 : i1 to i32
        %parallel_loop3A_369 = arith.subi %parallel_loop3A_365, %parallel_loop3A_368 : i32
        %parallel_loop3A_370 = arith.constant 0 : i32
        %parallel_loop3A_371 = arith.cmpi sgt, %parallel_loop3A_361, %parallel_loop3A_370 : i32
        %parallel_loop3A_372 = arith.extui %parallel_loop3A_371 : i1 to i32
        %parallel_loop3A_373 = arith.constant 0 : i32
        %parallel_loop3A_374 = arith.cmpi slt, %parallel_loop3A_361, %parallel_loop3A_373 : i32
        %parallel_loop3A_375 = arith.extui %parallel_loop3A_374 : i1 to i32
        %parallel_loop3A_376 = arith.subi %parallel_loop3A_372, %parallel_loop3A_375 : i32
        %parallel_loop3A_377 = arith.cmpi ne, %parallel_loop3A_369, %parallel_loop3A_376 : i32
        %parallel_loop3A_378 = arith.remsi %parallel_loop3A_359, %parallel_loop3A_361 : i32
        %parallel_loop3A_379 = arith.constant 0 : i32
        %parallel_loop3A_380 = arith.cmpi ne, %parallel_loop3A_378, %parallel_loop3A_379 : i32
        %parallel_loop3A_381 = arith.andi %parallel_loop3A_377, %parallel_loop3A_380 : i1
        %parallel_loop3A_382 = arith.constant 1 : i32
        %parallel_loop3A_383 = arith.subi %parallel_loop3A_362, %parallel_loop3A_382 : i32
        %parallel_loop3A_384 = arith.select %parallel_loop3A_381, %parallel_loop3A_383, %parallel_loop3A_362 : i32
        %parallel_loop3A_385 = arith.constant 32 : i32
        %parallel_loop3A_386 = arith.constant 0 : i32
        %parallel_loop3A_387 = arith.cmpi eq, %parallel_loop3A_385, %parallel_loop3A_386 : i32
        %parallel_loop3A_388 = arith.constant 1 : i32
        %parallel_loop3A_389 = arith.select %parallel_loop3A_387, %parallel_loop3A_388, %parallel_loop3A_385 : i32
        %parallel_loop3A_390 = arith.remsi %parallel_loop3A_359, %parallel_loop3A_389 : i32
        %parallel_loop3A_391 = arith.constant 0 : i32
        %parallel_loop3A_392 = arith.cmpi ne, %parallel_loop3A_390, %parallel_loop3A_391 : i32
        %parallel_loop3A_393 = arith.constant 0 : i32
        %parallel_loop3A_394 = arith.cmpi slt, %parallel_loop3A_390, %parallel_loop3A_393 : i32
        %parallel_loop3A_395 = arith.constant 0 : i32
        %parallel_loop3A_396 = arith.cmpi slt, %parallel_loop3A_389, %parallel_loop3A_395 : i32
        %parallel_loop3A_397 = arith.xori %parallel_loop3A_394, %parallel_loop3A_396 : i1
        %parallel_loop3A_398 = arith.andi %parallel_loop3A_397, %parallel_loop3A_392 : i1
        %parallel_loop3A_399 = arith.addi %parallel_loop3A_390, %parallel_loop3A_389 : i32
        %parallel_loop3A_400 = arith.select %parallel_loop3A_398, %parallel_loop3A_399, %parallel_loop3A_390 : i32
        %parallel_loop3A_401 = arith.constant 16 : i32
        %parallel_loop3A_402 = arith.muli %parallel_loop3A_400, %parallel_loop3A_401 : i32
        %parallel_loop3A_403 = arith.constant 1 : i32
        %parallel_loop3A_404 = arith.index_cast %parallel_loop3A_403 : i32 to index
        %parallel_loop3A_405 = arith.index_cast %parallel_loop3A_384 : i32 to index
        %parallel_loop3A_406 = arith.index_cast %parallel_loop3A_402 : i32 to index
        %parallel_loop3A_407 = tpu.vector_load %arg11[%parallel_loop3A_404, %parallel_loop3A_405, %parallel_loop3A_406] {strides = array<i32>} : memref<2x8x512xi32, #tpu.memory_space<vmem>>, vector<16xi32>,
        %parallel_loop3A_408 = arith.constant 4 : i32
        %parallel_loop3A_409 = vector.broadcast %parallel_loop3A_408 : i32 to vector<16xi32>
        %parallel_loop3A_410 = arith.muli %parallel_loop3A_407, %parallel_loop3A_409 : vector<16xi32>
        %parallel_loop3A_411 = arith.constant 0 : i32
        %parallel_loop3A_412 = vector.broadcast %parallel_loop3A_411 : i32 to vector<16xi32>
        %parallel_loop3A_413 = arith.addi %parallel_loop3A_410, %parallel_loop3A_412 : vector<16xi32>
        %parallel_loop3A_414 = tpu.vector_load_idx %arg8[%parallel_loop3A_413] : memref<1024xf32, #tpu.memory_space<vmem>>[vector<16xi32>], vector<16xf32>,
        %parallel_loop3A_415 = arith.constant 1 : i32
        %parallel_loop3A_416 = arith.constant 0 : i32
        %parallel_loop3A_417 = arith.index_cast %parallel_loop3A_415 : i32 to index
        %parallel_loop3A_418 = arith.index_cast %parallel_loop3A_384 : i32 to index
        %parallel_loop3A_419 = arith.index_cast %parallel_loop3A_416 : i32 to index
        %parallel_loop3A_420 = arith.index_cast %parallel_loop3A_402 : i32 to index
        %parallel_loop3A_421 = tpu.vector_load %arg12[%parallel_loop3A_417, %parallel_loop3A_418, %parallel_loop3A_419, %parallel_loop3A_420] {strides = array<i32>} : memref<2x8x4x512xf32, #tpu.memory_space<vmem>>, vector<16xf32>,
        %parallel_loop3A_422 = arith.constant 1 : i32
        %parallel_loop3A_423 = arith.constant 0 : i32
        %parallel_loop3A_424 = arith.index_cast %parallel_loop3A_422 : i32 to index
        %parallel_loop3A_425 = arith.index_cast %parallel_loop3A_384 : i32 to index
        %parallel_loop3A_426 = arith.index_cast %parallel_loop3A_423 : i32 to index
        %parallel_loop3A_427 = arith.index_cast %parallel_loop3A_402 : i32 to index
        %parallel_loop3A_428 = tpu.vector_load %arg13[%parallel_loop3A_424, %parallel_loop3A_425, %parallel_loop3A_426, %parallel_loop3A_427] {strides = array<i32>} : memref<2x8x4x512xf32, #tpu.memory_space<vmem>>, vector<16xf32>,
        tpu.vector_store %arg13[%parallel_loop3A_424, %parallel_loop3A_425, %parallel_loop3A_426, %parallel_loop3A_427], %parallel_loop3A_414 {strides = array<i32>} : memref<2x8x4x512xf32, #tpu.memory_space<vmem>>, vector<16xf32>,
        %parallel_loop3A_429 = arith.mulf %parallel_loop3A_414, %parallel_loop3A_421 : vector<16xf32>
        %parallel_loop3A_430 = arith.constant 1 : i32
        %parallel_loop3A_431 = vector.broadcast %parallel_loop3A_430 : i32 to vector<16xi32>
        %parallel_loop3A_432 = arith.addi %parallel_loop3A_410, %parallel_loop3A_431 : vector<16xi32>
        %parallel_loop3A_433 = tpu.vector_load_idx %arg8[%parallel_loop3A_432] : memref<1024xf32, #tpu.memory_space<vmem>>[vector<16xi32>], vector<16xf32>,
        %parallel_loop3A_434 = arith.constant 1 : i32
        %parallel_loop3A_435 = arith.constant 1 : i32
        %parallel_loop3A_436 = arith.index_cast %parallel_loop3A_434 : i32 to index
        %parallel_loop3A_437 = arith.index_cast %parallel_loop3A_384 : i32 to index
        %parallel_loop3A_438 = arith.index_cast %parallel_loop3A_435 : i32 to index
        %parallel_loop3A_439 = arith.index_cast %parallel_loop3A_402 : i32 to index
        %parallel_loop3A_440 = tpu.vector_load %arg12[%parallel_loop3A_436, %parallel_loop3A_437, %parallel_loop3A_438, %parallel_loop3A_439] {strides = array<i32>} : memref<2x8x4x512xf32, #tpu.memory_space<vmem>>, vector<16xf32>,
        %parallel_loop3A_441 = arith.constant 1 : i32
        %parallel_loop3A_442 = arith.constant 1 : i32
        %parallel_loop3A_443 = arith.index_cast %parallel_loop3A_441 : i32 to index
        %parallel_loop3A_444 = arith.index_cast %parallel_loop3A_384 : i32 to index
        %parallel_loop3A_445 = arith.index_cast %parallel_loop3A_442 : i32 to index
        %parallel_loop3A_446 = arith.index_cast %parallel_loop3A_402 : i32 to index
        %parallel_loop3A_447 = tpu.vector_load %arg13[%parallel_loop3A_443, %parallel_loop3A_444, %parallel_loop3A_445, %parallel_loop3A_446] {strides = array<i32>} : memref<2x8x4x512xf32, #tpu.memory_space<vmem>>, vector<16xf32>,
        tpu.vector_store %arg13[%parallel_loop3A_443, %parallel_loop3A_444, %parallel_loop3A_445, %parallel_loop3A_446], %parallel_loop3A_433 {strides = array<i32>} : memref<2x8x4x512xf32, #tpu.memory_space<vmem>>, vector<16xf32>,
        %parallel_loop3A_448 = arith.mulf %parallel_loop3A_433, %parallel_loop3A_440 : vector<16xf32>
        %parallel_loop3A_449 = arith.addf %parallel_loop3A_429, %parallel_loop3A_448 : vector<16xf32>
        %parallel_loop3A_450 = arith.constant 2 : i32
        %parallel_loop3A_451 = vector.broadcast %parallel_loop3A_450 : i32 to vector<16xi32>
        %parallel_loop3A_452 = arith.addi %parallel_loop3A_410, %parallel_loop3A_451 : vector<16xi32>
        %parallel_loop3A_453 = tpu.vector_load_idx %arg8[%parallel_loop3A_452] : memref<1024xf32, #tpu.memory_space<vmem>>[vector<16xi32>], vector<16xf32>,
        %parallel_loop3A_454 = arith.constant 1 : i32
        %parallel_loop3A_455 = arith.constant 2 : i32
        %parallel_loop3A_456 = arith.index_cast %parallel_loop3A_454 : i32 to index
        %parallel_loop3A_457 = arith.index_cast %parallel_loop3A_384 : i32 to index
        %parallel_loop3A_458 = arith.index_cast %parallel_loop3A_455 : i32 to index
        %parallel_loop3A_459 = arith.index_cast %parallel_loop3A_402 : i32 to index
        %parallel_loop3A_460 = tpu.vector_load %arg12[%parallel_loop3A_456, %parallel_loop3A_457, %parallel_loop3A_458, %parallel_loop3A_459] {strides = array<i32>} : memref<2x8x4x512xf32, #tpu.memory_space<vmem>>, vector<16xf32>,
        %parallel_loop3A_461 = arith.constant 1 : i32
        %parallel_loop3A_462 = arith.constant 2 : i32
        %parallel_loop3A_463 = arith.index_cast %parallel_loop3A_461 : i32 to index
        %parallel_loop3A_464 = arith.index_cast %parallel_loop3A_384 : i32 to index
        %parallel_loop3A_465 = arith.index_cast %parallel_loop3A_462 : i32 to index
        %parallel_loop3A_466 = arith.index_cast %parallel_loop3A_402 : i32 to index
        %parallel_loop3A_467 = tpu.vector_load %arg13[%parallel_loop3A_463, %parallel_loop3A_464, %parallel_loop3A_465, %parallel_loop3A_466] {strides = array<i32>} : memref<2x8x4x512xf32, #tpu.memory_space<vmem>>, vector<16xf32>,
        tpu.vector_store %arg13[%parallel_loop3A_463, %parallel_loop3A_464, %parallel_loop3A_465, %parallel_loop3A_466], %parallel_loop3A_453 {strides = array<i32>} : memref<2x8x4x512xf32, #tpu.memory_space<vmem>>, vector<16xf32>,
        %parallel_loop3A_468 = arith.mulf %parallel_loop3A_453, %parallel_loop3A_460 : vector<16xf32>
        %parallel_loop3A_469 = arith.addf %parallel_loop3A_449, %parallel_loop3A_468 : vector<16xf32>
        %parallel_loop3A_470 = arith.constant 3 : i32
        %parallel_loop3A_471 = vector.broadcast %parallel_loop3A_470 : i32 to vector<16xi32>
        %parallel_loop3A_472 = arith.addi %parallel_loop3A_410, %parallel_loop3A_471 : vector<16xi32>
        %parallel_loop3A_473 = tpu.vector_load_idx %arg8[%parallel_loop3A_472] : memref<1024xf32, #tpu.memory_space<vmem>>[vector<16xi32>], vector<16xf32>,
        %parallel_loop3A_474 = arith.constant 1 : i32
        %parallel_loop3A_475 = arith.constant 3 : i32
        %parallel_loop3A_476 = arith.index_cast %parallel_loop3A_474 : i32 to index
        %parallel_loop3A_477 = arith.index_cast %parallel_loop3A_384 : i32 to index
        %parallel_loop3A_478 = arith.index_cast %parallel_loop3A_475 : i32 to index
        %parallel_loop3A_479 = arith.index_cast %parallel_loop3A_402 : i32 to index
        %parallel_loop3A_480 = tpu.vector_load %arg12[%parallel_loop3A_476, %parallel_loop3A_477, %parallel_loop3A_478, %parallel_loop3A_479] {strides = array<i32>} : memref<2x8x4x512xf32, #tpu.memory_space<vmem>>, vector<16xf32>,
        %parallel_loop3A_481 = arith.constant 1 : i32
        %parallel_loop3A_482 = arith.constant 3 : i32
        %parallel_loop3A_483 = arith.index_cast %parallel_loop3A_481 : i32 to index
        %parallel_loop3A_484 = arith.index_cast %parallel_loop3A_384 : i32 to index
        %parallel_loop3A_485 = arith.index_cast %parallel_loop3A_482 : i32 to index
        %parallel_loop3A_486 = arith.index_cast %parallel_loop3A_402 : i32 to index
        %parallel_loop3A_487 = tpu.vector_load %arg13[%parallel_loop3A_483, %parallel_loop3A_484, %parallel_loop3A_485, %parallel_loop3A_486] {strides = array<i32>} : memref<2x8x4x512xf32, #tpu.memory_space<vmem>>, vector<16xf32>,
        tpu.vector_store %arg13[%parallel_loop3A_483, %parallel_loop3A_484, %parallel_loop3A_485, %parallel_loop3A_486], %parallel_loop3A_473 {strides = array<i32>} : memref<2x8x4x512xf32, #tpu.memory_space<vmem>>, vector<16xf32>,
        %parallel_loop3A_488 = arith.mulf %parallel_loop3A_473, %parallel_loop3A_480 : vector<16xf32>
        %parallel_loop3A_489 = arith.addf %parallel_loop3A_469, %parallel_loop3A_488 : vector<16xf32>
        %parallel_loop3A_490 = arith.mulf %parallel_loop3A_489, %parallel_loop3A_489 : vector<16xf32>
        %parallel_loop3A_491 = arith.addf %parallel_loop3A_360, %parallel_loop3A_490 : vector<16xf32>
        scf.yield %parallel_loop3A_491 : vector<16xf32>
      } {sc.loop_unroll_factor = 8 : i64, sc.parallel_access}
      %add3A_340 = arith.constant 1 : i32
      %add3A_341 = arith.addi %mul3A_187, %add3A_340 : i32
      %mul3A_342 = arith.constant 8 : i32
      %mul3A_343 = arith.muli %add3A_341, %mul3A_342 : i32
      %dma_start3A_344 = arith.constant 1 : i32
      %dma_start3A_345 = arith.constant 0 : i32
      %dma_start3A_346 = arith.constant 0 : i32
      %dma_start3A_347 = arith.constant 0 : i32
      %dma_start3A_348 = tpu.memref_slice %arg13[%dma_start3A_344, %dma_start3A_345, %dma_start3A_346, %dma_start3A_347] : memref<2x8x4x512xf32, #tpu.memory_space<vmem>> -> memref<1x8x4x512xf32, #tpu.memory_space<vmem>>
      %dma_start3A_349 = tpu.memref_squeeze %dma_start3A_348 : memref<1x8x4x512xf32, #tpu.memory_space<vmem>> -> memref<8x4x512xf32, #tpu.memory_space<vmem>>
      %dma_start3A_350 = arith.constant 0 : i32
      %dma_start3A_351 = tpu.memref_slice %arg6[%mul3A_343, %dma_start3A_350, %mul3A_2] : memref<200x4x16384xf32, #tpu.memory_space<hbm>> -> memref<8x4x512xf32, #tpu.memory_space<hbm>>
      %dma_start3A_352 = arith.constant 0 : i32
      %dma_start3A_353 = tpu.memref_slice %arg6[%mul3A_343, %dma_start3A_352, %mul3A_2] : memref<200x4x16384xf32, #tpu.memory_space<hbm>> -> memref<8x4x512xf32, #tpu.memory_space<hbm>>
      %dma_start3A_354 = arith.constant 0 : i32
      %dma_start3A_355 = arith.constant 0 : i32
      %dma_start3A_356 = arith.constant 0 : i32
      %dma_start3A_357 = tpu.memref_slice %arg13[%dma_start3A_344, %dma_start3A_354, %dma_start3A_355, %dma_start3A_356] : memref<2x8x4x512xf32, #tpu.memory_space<vmem>> -> memref<1x8x4x512xf32, #tpu.memory_space<vmem>>
      %dma_start3A_358 = tpu.memref_squeeze %dma_start3A_357 : memref<1x8x4x512xf32, #tpu.memory_space<vmem>> -> memref<8x4x512xf32, #tpu.memory_space<vmem>>
      tpu.enqueue_dma source(%dma_start3A_358 : memref<8x4x512xf32, #tpu.memory_space<vmem>>) target(%dma_start3A_353 : memref<8x4x512xf32, #tpu.memory_space<hbm>>) target_semaphore(%arg18 : memref<!tpu.dma_semaphore, #tpu.memory_space<semaphore_mem>>)
      scf.yield %parallel_loop3A_339 : vector<16xf32>
    }
    %scan3A_82 = arith.constant 12 : i32
    %dma_wait3A = arith.constant 0 : i32
    %dma_wait3A_83 = arith.constant 0 : i32
    %dma_wait3A_84 = arith.constant 0 : i32
    %dma_wait3A_85 = tpu.memref_slice %arg11[%dma_wait3A, %dma_wait3A_83, %dma_wait3A_84] : memref<2x8x512xi32, #tpu.memory_space<vmem>> -> memref<1x8x512xi32, #tpu.memory_space<vmem>>
    %dma_wait3A_86 = tpu.memref_squeeze %dma_wait3A_85 : memref<1x8x512xi32, #tpu.memory_space<vmem>> -> memref<8x512xi32, #tpu.memory_space<vmem>>
    %dma_wait3A_87 = arith.constant 192 : i32
    %dma_wait3A_88 = tpu.memref_slice %arg2[%dma_wait3A_87, %mul3A_2] : memref<200x16384xi32, #tpu.memory_space<hbm>> -> memref<8x512xi32, #tpu.memory_space<hbm>>
    %dma_wait3A_89 = arith.constant 0 : i32
    %dma_wait3A_90 = arith.constant 0 : i32
    %dma_wait3A_91 = tpu.memref_slice %arg11[%dma_wait3A, %dma_wait3A_89, %dma_wait3A_90] : memref<2x8x512xi32, #tpu.memory_space<vmem>> -> memref<1x8x512xi32, #tpu.memory_space<vmem>>
    %dma_wait3A_92 = tpu.memref_squeeze %dma_wait3A_91 : memref<1x8x512xi32, #tpu.memory_space<vmem>> -> memref<8x512xi32, #tpu.memory_space<vmem>>
    %dma_wait3A_93 = arith.constant 192 : i32
    %dma_wait3A_94 = tpu.memref_slice %arg2[%dma_wait3A_93, %mul3A_2] : memref<200x16384xi32, #tpu.memory_space<hbm>> -> memref<8x512xi32, #tpu.memory_space<hbm>>
    tpu.wait_dma2 semaphore(%arg15 : memref<!tpu.dma_semaphore, #tpu.memory_space<semaphore_mem>>) src(%dma_wait3A_94 : memref<8x512xi32, #tpu.memory_space<hbm>>) dst(%dma_wait3A_92 : memref<8x512xi32, #tpu.memory_space<vmem>>)
    %dma_wait3A_95 = arith.constant 0 : i32
    %dma_wait3A_96 = arith.constant 0 : i32
    %dma_wait3A_97 = arith.constant 0 : i32
    %dma_wait3A_98 = arith.constant 0 : i32
    %dma_wait3A_99 = tpu.memref_slice %arg12[%dma_wait3A_95, %dma_wait3A_96, %dma_wait3A_97, %dma_wait3A_98] : memref<2x8x4x512xf32, #tpu.memory_space<vmem>> -> memref<1x8x4x512xf32, #tpu.memory_space<vmem>>
    %dma_wait3A_100 = tpu.memref_squeeze %dma_wait3A_99 : memref<1x8x4x512xf32, #tpu.memory_space<vmem>> -> memref<8x4x512xf32, #tpu.memory_space<vmem>>
    %dma_wait3A_101 = arith.constant 192 : i32
    %dma_wait3A_102 = arith.constant 0 : i32
    %dma_wait3A_103 = tpu.memref_slice %arg3[%dma_wait3A_101, %dma_wait3A_102, %mul3A_2] : memref<200x4x16384xf32, #tpu.memory_space<hbm>> -> memref<8x4x512xf32, #tpu.memory_space<hbm>>
    %dma_wait3A_104 = arith.constant 0 : i32
    %dma_wait3A_105 = arith.constant 0 : i32
    %dma_wait3A_106 = arith.constant 0 : i32
    %dma_wait3A_107 = tpu.memref_slice %arg12[%dma_wait3A_95, %dma_wait3A_104, %dma_wait3A_105, %dma_wait3A_106] : memref<2x8x4x512xf32, #tpu.memory_space<vmem>> -> memref<1x8x4x512xf32, #tpu.memory_space<vmem>>
    %dma_wait3A_108 = tpu.memref_squeeze %dma_wait3A_107 : memref<1x8x4x512xf32, #tpu.memory_space<vmem>> -> memref<8x4x512xf32, #tpu.memory_space<vmem>>
    %dma_wait3A_109 = arith.constant 192 : i32
    %dma_wait3A_110 = arith.constant 0 : i32
    %dma_wait3A_111 = tpu.memref_slice %arg3[%dma_wait3A_109, %dma_wait3A_110, %mul3A_2] : memref<200x4x16384xf32, #tpu.memory_space<hbm>> -> memref<8x4x512xf32, #tpu.memory_space<hbm>>
    tpu.wait_dma2 semaphore(%arg15 : memref<!tpu.dma_semaphore, #tpu.memory_space<semaphore_mem>>) src(%dma_wait3A_111 : memref<8x4x512xf32, #tpu.memory_space<hbm>>) dst(%dma_wait3A_108 : memref<8x4x512xf32, #tpu.memory_space<vmem>>)
    %dma_wait3A_112 = arith.constant 0 : i32
    %dma_wait3A_113 = arith.constant 0 : i32
    %dma_wait3A_114 = arith.constant 0 : i32
    %dma_wait3A_115 = arith.constant 0 : i32
    %dma_wait3A_116 = tpu.memref_slice %arg13[%dma_wait3A_112, %dma_wait3A_113, %dma_wait3A_114, %dma_wait3A_115] : memref<2x8x4x512xf32, #tpu.memory_space<vmem>> -> memref<1x8x4x512xf32, #tpu.memory_space<vmem>>
    %dma_wait3A_117 = tpu.memref_squeeze %dma_wait3A_116 : memref<1x8x4x512xf32, #tpu.memory_space<vmem>> -> memref<8x4x512xf32, #tpu.memory_space<vmem>>
    %dma_wait3A_118 = arith.constant 192 : i32
    %dma_wait3A_119 = arith.constant 0 : i32
    %dma_wait3A_120 = tpu.memref_slice %arg6[%dma_wait3A_118, %dma_wait3A_119, %mul3A_2] : memref<200x4x16384xf32, #tpu.memory_space<hbm>> -> memref<8x4x512xf32, #tpu.memory_space<hbm>>
    %dma_wait3A_121 = arith.constant 192 : i32
    %dma_wait3A_122 = arith.constant 0 : i32
    %dma_wait3A_123 = tpu.memref_slice %arg6[%dma_wait3A_121, %dma_wait3A_122, %mul3A_2] : memref<200x4x16384xf32, #tpu.memory_space<hbm>> -> memref<8x4x512xf32, #tpu.memory_space<hbm>>
    %dma_wait3A_124 = arith.constant 0 : i32
    %dma_wait3A_125 = arith.constant 0 : i32
    %dma_wait3A_126 = arith.constant 0 : i32
    %dma_wait3A_127 = tpu.memref_slice %arg13[%dma_wait3A_112, %dma_wait3A_124, %dma_wait3A_125, %dma_wait3A_126] : memref<2x8x4x512xf32, #tpu.memory_space<vmem>> -> memref<1x8x4x512xf32, #tpu.memory_space<vmem>>
    %dma_wait3A_128 = tpu.memref_squeeze %dma_wait3A_127 : memref<1x8x4x512xf32, #tpu.memory_space<vmem>> -> memref<8x4x512xf32, #tpu.memory_space<vmem>>
    tpu.wait_dma2 semaphore(%arg17 : memref<!tpu.dma_semaphore, #tpu.memory_space<semaphore_mem>>) src(%dma_wait3A_128 : memref<8x4x512xf32, #tpu.memory_space<vmem>>) dst(%dma_wait3A_123 : memref<8x4x512xf32, #tpu.memory_space<hbm>>)
    %parallel_loop3A = arith.constant 0 : i32
    %parallel_loop3A_129 = arith.constant 256 : i32
    %parallel_loop3A_130 = arith.constant 1 : i32
    %parallel_loop3A_131 = scf.for %parallel_loop3A_184 = %parallel_loop3A to %parallel_loop3A_129 step %parallel_loop3A_130 iter_args(%parallel_loop3A_185 = %scan3A_81) -> (vector<16xf32>)  : i32 {
      %parallel_loop3A_186 = arith.constant 32 : i32
      %parallel_loop3A_187 = arith.divsi %parallel_loop3A_184, %parallel_loop3A_186 : i32
      %parallel_loop3A_188 = arith.constant 0 : i32
      %parallel_loop3A_189 = arith.cmpi sgt, %parallel_loop3A_184, %parallel_loop3A_188 : i32
      %parallel_loop3A_190 = arith.extui %parallel_loop3A_189 : i1 to i32
      %parallel_loop3A_191 = arith.constant 0 : i32
      %parallel_loop3A_192 = arith.cmpi slt, %parallel_loop3A_184, %parallel_loop3A_191 : i32
      %parallel_loop3A_193 = arith.extui %parallel_loop3A_192 : i1 to i32
      %parallel_loop3A_194 = arith.subi %parallel_loop3A_190, %parallel_loop3A_193 : i32
      %parallel_loop3A_195 = arith.constant 0 : i32
      %parallel_loop3A_196 = arith.cmpi sgt, %parallel_loop3A_186, %parallel_loop3A_195 : i32
      %parallel_loop3A_197 = arith.extui %parallel_loop3A_196 : i1 to i32
      %parallel_loop3A_198 = arith.constant 0 : i32
      %parallel_loop3A_199 = arith.cmpi slt, %parallel_loop3A_186, %parallel_loop3A_198 : i32
      %parallel_loop3A_200 = arith.extui %parallel_loop3A_199 : i1 to i32
      %parallel_loop3A_201 = arith.subi %parallel_loop3A_197, %parallel_loop3A_200 : i32
      %parallel_loop3A_202 = arith.cmpi ne, %parallel_loop3A_194, %parallel_loop3A_201 : i32
      %parallel_loop3A_203 = arith.remsi %parallel_loop3A_184, %parallel_loop3A_186 : i32
      %parallel_loop3A_204 = arith.constant 0 : i32
      %parallel_loop3A_205 = arith.cmpi ne, %parallel_loop3A_203, %parallel_loop3A_204 : i32
      %parallel_loop3A_206 = arith.andi %parallel_loop3A_202, %parallel_loop3A_205 : i1
      %parallel_loop3A_207 = arith.constant 1 : i32
      %parallel_loop3A_208 = arith.subi %parallel_loop3A_187, %parallel_loop3A_207 : i32
      %parallel_loop3A_209 = arith.select %parallel_loop3A_206, %parallel_loop3A_208, %parallel_loop3A_187 : i32
      %parallel_loop3A_210 = arith.constant 32 : i32
      %parallel_loop3A_211 = arith.constant 0 : i32
      %parallel_loop3A_212 = arith.cmpi eq, %parallel_loop3A_210, %parallel_loop3A_211 : i32
      %parallel_loop3A_213 = arith.constant 1 : i32
      %parallel_loop3A_214 = arith.select %parallel_loop3A_212, %parallel_loop3A_213, %parallel_loop3A_210 : i32
      %parallel_loop3A_215 = arith.remsi %parallel_loop3A_184, %parallel_loop3A_214 : i32
      %parallel_loop3A_216 = arith.constant 0 : i32
      %parallel_loop3A_217 = arith.cmpi ne, %parallel_loop3A_215, %parallel_loop3A_216 : i32
      %parallel_loop3A_218 = arith.constant 0 : i32
      %parallel_loop3A_219 = arith.cmpi slt, %parallel_loop3A_215, %parallel_loop3A_218 : i32
      %parallel_loop3A_220 = arith.constant 0 : i32
      %parallel_loop3A_221 = arith.cmpi slt, %parallel_loop3A_214, %parallel_loop3A_220 : i32
      %parallel_loop3A_222 = arith.xori %parallel_loop3A_219, %parallel_loop3A_221 : i1
      %parallel_loop3A_223 = arith.andi %parallel_loop3A_222, %parallel_loop3A_217 : i1
      %parallel_loop3A_224 = arith.addi %parallel_loop3A_215, %parallel_loop3A_214 : i32
      %parallel_loop3A_225 = arith.select %parallel_loop3A_223, %parallel_loop3A_224, %parallel_loop3A_215 : i32
      %parallel_loop3A_226 = arith.constant 16 : i32
      %parallel_loop3A_227 = arith.muli %parallel_loop3A_225, %parallel_loop3A_226 : i32
      %parallel_loop3A_228 = arith.constant 0 : i32
      %parallel_loop3A_229 = arith.index_cast %parallel_loop3A_228 : i32 to index
      %parallel_loop3A_230 = arith.index_cast %parallel_loop3A_209 : i32 to index
      %parallel_loop3A_231 = arith.index_cast %parallel_loop3A_227 : i32 to index
      %parallel_loop3A_232 = tpu.vector_load %arg11[%parallel_loop3A_229, %parallel_loop3A_230, %parallel_loop3A_231] {strides = array<i32>} : memref<2x8x512xi32, #tpu.memory_space<vmem>>, vector<16xi32>,
      %parallel_loop3A_233 = arith.constant 4 : i32
      %parallel_loop3A_234 = vector.broadcast %parallel_loop3A_233 : i32 to vector<16xi32>
      %parallel_loop3A_235 = arith.muli %parallel_loop3A_232, %parallel_loop3A_234 : vector<16xi32>
      %parallel_loop3A_236 = arith.constant 0 : i32
      %parallel_loop3A_237 = vector.broadcast %parallel_loop3A_236 : i32 to vector<16xi32>
      %parallel_loop3A_238 = arith.addi %parallel_loop3A_235, %parallel_loop3A_237 : vector<16xi32>
      %parallel_loop3A_239 = tpu.vector_load_idx %arg8[%parallel_loop3A_238] : memref<1024xf32, #tpu.memory_space<vmem>>[vector<16xi32>], vector<16xf32>,
      %parallel_loop3A_240 = arith.constant 0 : i32
      %parallel_loop3A_241 = arith.constant 0 : i32
      %parallel_loop3A_242 = arith.index_cast %parallel_loop3A_240 : i32 to index
      %parallel_loop3A_243 = arith.index_cast %parallel_loop3A_209 : i32 to index
      %parallel_loop3A_244 = arith.index_cast %parallel_loop3A_241 : i32 to index
      %parallel_loop3A_245 = arith.index_cast %parallel_loop3A_227 : i32 to index
      %parallel_loop3A_246 = tpu.vector_load %arg12[%parallel_loop3A_242, %parallel_loop3A_243, %parallel_loop3A_244, %parallel_loop3A_245] {strides = array<i32>} : memref<2x8x4x512xf32, #tpu.memory_space<vmem>>, vector<16xf32>,
      %parallel_loop3A_247 = arith.constant 0 : i32
      %parallel_loop3A_248 = arith.constant 0 : i32
      %parallel_loop3A_249 = arith.index_cast %parallel_loop3A_247 : i32 to index
      %parallel_loop3A_250 = arith.index_cast %parallel_loop3A_209 : i32 to index
      %parallel_loop3A_251 = arith.index_cast %parallel_loop3A_248 : i32 to index
      %parallel_loop3A_252 = arith.index_cast %parallel_loop3A_227 : i32 to index
      %parallel_loop3A_253 = tpu.vector_load %arg13[%parallel_loop3A_249, %parallel_loop3A_250, %parallel_loop3A_251, %parallel_loop3A_252] {strides = array<i32>} : memref<2x8x4x512xf32, #tpu.memory_space<vmem>>, vector<16xf32>,
      tpu.vector_store %arg13[%parallel_loop3A_249, %parallel_loop3A_250, %parallel_loop3A_251, %parallel_loop3A_252], %parallel_loop3A_239 {strides = array<i32>} : memref<2x8x4x512xf32, #tpu.memory_space<vmem>>, vector<16xf32>,
      %parallel_loop3A_254 = arith.mulf %parallel_loop3A_239, %parallel_loop3A_246 : vector<16xf32>
      %parallel_loop3A_255 = arith.constant 1 : i32
      %parallel_loop3A_256 = vector.broadcast %parallel_loop3A_255 : i32 to vector<16xi32>
      %parallel_loop3A_257 = arith.addi %parallel_loop3A_235, %parallel_loop3A_256 : vector<16xi32>
      %parallel_loop3A_258 = tpu.vector_load_idx %arg8[%parallel_loop3A_257] : memref<1024xf32, #tpu.memory_space<vmem>>[vector<16xi32>], vector<16xf32>,
      %parallel_loop3A_259 = arith.constant 0 : i32
      %parallel_loop3A_260 = arith.constant 1 : i32
      %parallel_loop3A_261 = arith.index_cast %parallel_loop3A_259 : i32 to index
      %parallel_loop3A_262 = arith.index_cast %parallel_loop3A_209 : i32 to index
      %parallel_loop3A_263 = arith.index_cast %parallel_loop3A_260 : i32 to index
      %parallel_loop3A_264 = arith.index_cast %parallel_loop3A_227 : i32 to index
      %parallel_loop3A_265 = tpu.vector_load %arg12[%parallel_loop3A_261, %parallel_loop3A_262, %parallel_loop3A_263, %parallel_loop3A_264] {strides = array<i32>} : memref<2x8x4x512xf32, #tpu.memory_space<vmem>>, vector<16xf32>,
      %parallel_loop3A_266 = arith.constant 0 : i32
      %parallel_loop3A_267 = arith.constant 1 : i32
      %parallel_loop3A_268 = arith.index_cast %parallel_loop3A_266 : i32 to index
      %parallel_loop3A_269 = arith.index_cast %parallel_loop3A_209 : i32 to index
      %parallel_loop3A_270 = arith.index_cast %parallel_loop3A_267 : i32 to index
      %parallel_loop3A_271 = arith.index_cast %parallel_loop3A_227 : i32 to index
      %parallel_loop3A_272 = tpu.vector_load %arg13[%parallel_loop3A_268, %parallel_loop3A_269, %parallel_loop3A_270, %parallel_loop3A_271] {strides = array<i32>} : memref<2x8x4x512xf32, #tpu.memory_space<vmem>>, vector<16xf32>,
      tpu.vector_store %arg13[%parallel_loop3A_268, %parallel_loop3A_269, %parallel_loop3A_270, %parallel_loop3A_271], %parallel_loop3A_258 {strides = array<i32>} : memref<2x8x4x512xf32, #tpu.memory_space<vmem>>, vector<16xf32>,
      %parallel_loop3A_273 = arith.mulf %parallel_loop3A_258, %parallel_loop3A_265 : vector<16xf32>
      %parallel_loop3A_274 = arith.addf %parallel_loop3A_254, %parallel_loop3A_273 : vector<16xf32>
      %parallel_loop3A_275 = arith.constant 2 : i32
      %parallel_loop3A_276 = vector.broadcast %parallel_loop3A_275 : i32 to vector<16xi32>
      %parallel_loop3A_277 = arith.addi %parallel_loop3A_235, %parallel_loop3A_276 : vector<16xi32>
      %parallel_loop3A_278 = tpu.vector_load_idx %arg8[%parallel_loop3A_277] : memref<1024xf32, #tpu.memory_space<vmem>>[vector<16xi32>], vector<16xf32>,
      %parallel_loop3A_279 = arith.constant 0 : i32
      %parallel_loop3A_280 = arith.constant 2 : i32
      %parallel_loop3A_281 = arith.index_cast %parallel_loop3A_279 : i32 to index
      %parallel_loop3A_282 = arith.index_cast %parallel_loop3A_209 : i32 to index
      %parallel_loop3A_283 = arith.index_cast %parallel_loop3A_280 : i32 to index
      %parallel_loop3A_284 = arith.index_cast %parallel_loop3A_227 : i32 to index
      %parallel_loop3A_285 = tpu.vector_load %arg12[%parallel_loop3A_281, %parallel_loop3A_282, %parallel_loop3A_283, %parallel_loop3A_284] {strides = array<i32>} : memref<2x8x4x512xf32, #tpu.memory_space<vmem>>, vector<16xf32>,
      %parallel_loop3A_286 = arith.constant 0 : i32
      %parallel_loop3A_287 = arith.constant 2 : i32
      %parallel_loop3A_288 = arith.index_cast %parallel_loop3A_286 : i32 to index
      %parallel_loop3A_289 = arith.index_cast %parallel_loop3A_209 : i32 to index
      %parallel_loop3A_290 = arith.index_cast %parallel_loop3A_287 : i32 to index
      %parallel_loop3A_291 = arith.index_cast %parallel_loop3A_227 : i32 to index
      %parallel_loop3A_292 = tpu.vector_load %arg13[%parallel_loop3A_288, %parallel_loop3A_289, %parallel_loop3A_290, %parallel_loop3A_291] {strides = array<i32>} : memref<2x8x4x512xf32, #tpu.memory_space<vmem>>, vector<16xf32>,
      tpu.vector_store %arg13[%parallel_loop3A_288, %parallel_loop3A_289, %parallel_loop3A_290, %parallel_loop3A_291], %parallel_loop3A_278 {strides = array<i32>} : memref<2x8x4x512xf32, #tpu.memory_space<vmem>>, vector<16xf32>,
      %parallel_loop3A_293 = arith.mulf %parallel_loop3A_278, %parallel_loop3A_285 : vector<16xf32>
      %parallel_loop3A_294 = arith.addf %parallel_loop3A_274, %parallel_loop3A_293 : vector<16xf32>
      %parallel_loop3A_295 = arith.constant 3 : i32
      %parallel_loop3A_296 = vector.broadcast %parallel_loop3A_295 : i32 to vector<16xi32>
      %parallel_loop3A_297 = arith.addi %parallel_loop3A_235, %parallel_loop3A_296 : vector<16xi32>
      %parallel_loop3A_298 = tpu.vector_load_idx %arg8[%parallel_loop3A_297] : memref<1024xf32, #tpu.memory_space<vmem>>[vector<16xi32>], vector<16xf32>,
      %parallel_loop3A_299 = arith.constant 0 : i32
      %parallel_loop3A_300 = arith.constant 3 : i32
      %parallel_loop3A_301 = arith.index_cast %parallel_loop3A_299 : i32 to index
      %parallel_loop3A_302 = arith.index_cast %parallel_loop3A_209 : i32 to index
      %parallel_loop3A_303 = arith.index_cast %parallel_loop3A_300 : i32 to index
      %parallel_loop3A_304 = arith.index_cast %parallel_loop3A_227 : i32 to index
      %parallel_loop3A_305 = tpu.vector_load %arg12[%parallel_loop3A_301, %parallel_loop3A_302, %parallel_loop3A_303, %parallel_loop3A_304] {strides = array<i32>} : memref<2x8x4x512xf32, #tpu.memory_space<vmem>>, vector<16xf32>,
      %parallel_loop3A_306 = arith.constant 0 : i32
      %parallel_loop3A_307 = arith.constant 3 : i32
      %parallel_loop3A_308 = arith.index_cast %parallel_loop3A_306 : i32 to index
      %parallel_loop3A_309 = arith.index_cast %parallel_loop3A_209 : i32 to index
      %parallel_loop3A_310 = arith.index_cast %parallel_loop3A_307 : i32 to index
      %parallel_loop3A_311 = arith.index_cast %parallel_loop3A_227 : i32 to index
      %parallel_loop3A_312 = tpu.vector_load %arg13[%parallel_loop3A_308, %parallel_loop3A_309, %parallel_loop3A_310, %parallel_loop3A_311] {strides = array<i32>} : memref<2x8x4x512xf32, #tpu.memory_space<vmem>>, vector<16xf32>,
      tpu.vector_store %arg13[%parallel_loop3A_308, %parallel_loop3A_309, %parallel_loop3A_310, %parallel_loop3A_311], %parallel_loop3A_298 {strides = array<i32>} : memref<2x8x4x512xf32, #tpu.memory_space<vmem>>, vector<16xf32>,
      %parallel_loop3A_313 = arith.mulf %parallel_loop3A_298, %parallel_loop3A_305 : vector<16xf32>
      %parallel_loop3A_314 = arith.addf %parallel_loop3A_294, %parallel_loop3A_313 : vector<16xf32>
      %parallel_loop3A_315 = arith.mulf %parallel_loop3A_314, %parallel_loop3A_314 : vector<16xf32>
      %parallel_loop3A_316 = arith.addf %parallel_loop3A_185, %parallel_loop3A_315 : vector<16xf32>
      scf.yield %parallel_loop3A_316 : vector<16xf32>
    } {sc.loop_unroll_factor = 8 : i64, sc.parallel_access}
    %dma_start3A_132 = arith.constant 0 : i32
    %dma_start3A_133 = arith.constant 0 : i32
    %dma_start3A_134 = arith.constant 0 : i32
    %dma_start3A_135 = arith.constant 0 : i32
    %dma_start3A_136 = tpu.memref_slice %arg13[%dma_start3A_132, %dma_start3A_133, %dma_start3A_134, %dma_start3A_135] : memref<2x8x4x512xf32, #tpu.memory_space<vmem>> -> memref<1x8x4x512xf32, #tpu.memory_space<vmem>>
    %dma_start3A_137 = tpu.memref_squeeze %dma_start3A_136 : memref<1x8x4x512xf32, #tpu.memory_space<vmem>> -> memref<8x4x512xf32, #tpu.memory_space<vmem>>
    %dma_start3A_138 = arith.constant 192 : i32
    %dma_start3A_139 = arith.constant 0 : i32
    %dma_start3A_140 = tpu.memref_slice %arg6[%dma_start3A_138, %dma_start3A_139, %mul3A_2] : memref<200x4x16384xf32, #tpu.memory_space<hbm>> -> memref<8x4x512xf32, #tpu.memory_space<hbm>>
    %dma_start3A_141 = arith.constant 192 : i32
    %dma_start3A_142 = arith.constant 0 : i32
    %dma_start3A_143 = tpu.memref_slice %arg6[%dma_start3A_141, %dma_start3A_142, %mul3A_2] : memref<200x4x16384xf32, #tpu.memory_space<hbm>> -> memref<8x4x512xf32, #tpu.memory_space<hbm>>
    %dma_start3A_144 = arith.constant 0 : i32
    %dma_start3A_145 = arith.constant 0 : i32
    %dma_start3A_146 = arith.constant 0 : i32
    %dma_start3A_147 = tpu.memref_slice %arg13[%dma_start3A_132, %dma_start3A_144, %dma_start3A_145, %dma_start3A_146] : memref<2x8x4x512xf32, #tpu.memory_space<vmem>> -> memref<1x8x4x512xf32, #tpu.memory_space<vmem>>
    %dma_start3A_148 = tpu.memref_squeeze %dma_start3A_147 : memref<1x8x4x512xf32, #tpu.memory_space<vmem>> -> memref<8x4x512xf32, #tpu.memory_space<vmem>>
    tpu.enqueue_dma source(%dma_start3A_148 : memref<8x4x512xf32, #tpu.memory_space<vmem>>) target(%dma_start3A_143 : memref<8x4x512xf32, #tpu.memory_space<hbm>>) target_semaphore(%arg17 : memref<!tpu.dma_semaphore, #tpu.memory_space<semaphore_mem>>)
    %dma_wait3A_149 = arith.constant 1 : i32
    %dma_wait3A_150 = arith.constant 0 : i32
    %dma_wait3A_151 = arith.constant 0 : i32
    %dma_wait3A_152 = arith.constant 0 : i32
    %dma_wait3A_153 = tpu.memref_slice %arg13[%dma_wait3A_149, %dma_wait3A_150, %dma_wait3A_151, %dma_wait3A_152] : memref<2x8x4x512xf32, #tpu.memory_space<vmem>> -> memref<1x8x4x512xf32, #tpu.memory_space<vmem>>
    %dma_wait3A_154 = tpu.memref_squeeze %dma_wait3A_153 : memref<1x8x4x512xf32, #tpu.memory_space<vmem>> -> memref<8x4x512xf32, #tpu.memory_space<vmem>>
    %dma_wait3A_155 = arith.constant 184 : i32
    %dma_wait3A_156 = arith.constant 0 : i32
    %dma_wait3A_157 = tpu.memref_slice %arg6[%dma_wait3A_155, %dma_wait3A_156, %mul3A_2] : memref<200x4x16384xf32, #tpu.memory_space<hbm>> -> memref<8x4x512xf32, #tpu.memory_space<hbm>>
    %dma_wait3A_158 = arith.constant 184 : i32
    %dma_wait3A_159 = arith.constant 0 : i32
    %dma_wait3A_160 = tpu.memref_slice %arg6[%dma_wait3A_158, %dma_wait3A_159, %mul3A_2] : memref<200x4x16384xf32, #tpu.memory_space<hbm>> -> memref<8x4x512xf32, #tpu.memory_space<hbm>>
    %dma_wait3A_161 = arith.constant 0 : i32
    %dma_wait3A_162 = arith.constant 0 : i32
    %dma_wait3A_163 = arith.constant 0 : i32
    %dma_wait3A_164 = tpu.memref_slice %arg13[%dma_wait3A_149, %dma_wait3A_161, %dma_wait3A_162, %dma_wait3A_163] : memref<2x8x4x512xf32, #tpu.memory_space<vmem>> -> memref<1x8x4x512xf32, #tpu.memory_space<vmem>>
    %dma_wait3A_165 = tpu.memref_squeeze %dma_wait3A_164 : memref<1x8x4x512xf32, #tpu.memory_space<vmem>> -> memref<8x4x512xf32, #tpu.memory_space<vmem>>
    tpu.wait_dma2 semaphore(%arg18 : memref<!tpu.dma_semaphore, #tpu.memory_space<semaphore_mem>>) src(%dma_wait3A_165 : memref<8x4x512xf32, #tpu.memory_space<vmem>>) dst(%dma_wait3A_160 : memref<8x4x512xf32, #tpu.memory_space<hbm>>)
    %dma_wait3A_166 = arith.constant 0 : i32
    %dma_wait3A_167 = arith.constant 0 : i32
    %dma_wait3A_168 = arith.constant 0 : i32
    %dma_wait3A_169 = arith.constant 0 : i32
    %dma_wait3A_170 = tpu.memref_slice %arg13[%dma_wait3A_166, %dma_wait3A_167, %dma_wait3A_168, %dma_wait3A_169] : memref<2x8x4x512xf32, #tpu.memory_space<vmem>> -> memref<1x8x4x512xf32, #tpu.memory_space<vmem>>
    %dma_wait3A_171 = tpu.memref_squeeze %dma_wait3A_170 : memref<1x8x4x512xf32, #tpu.memory_space<vmem>> -> memref<8x4x512xf32, #tpu.memory_space<vmem>>
    %dma_wait3A_172 = arith.constant 192 : i32
    %dma_wait3A_173 = arith.constant 0 : i32
    %dma_wait3A_174 = tpu.memref_slice %arg6[%dma_wait3A_172, %dma_wait3A_173, %mul3A_2] : memref<200x4x16384xf32, #tpu.memory_space<hbm>> -> memref<8x4x512xf32, #tpu.memory_space<hbm>>
    %dma_wait3A_175 = arith.constant 192 : i32
    %dma_wait3A_176 = arith.constant 0 : i32
    %dma_wait3A_177 = tpu.memref_slice %arg6[%dma_wait3A_175, %dma_wait3A_176, %mul3A_2] : memref<200x4x16384xf32, #tpu.memory_space<hbm>> -> memref<8x4x512xf32, #tpu.memory_space<hbm>>
    %dma_wait3A_178 = arith.constant 0 : i32
    %dma_wait3A_179 = arith.constant 0 : i32
    %dma_wait3A_180 = arith.constant 0 : i32
    %dma_wait3A_181 = tpu.memref_slice %arg13[%dma_wait3A_166, %dma_wait3A_178, %dma_wait3A_179, %dma_wait3A_180] : memref<2x8x4x512xf32, #tpu.memory_space<vmem>> -> memref<1x8x4x512xf32, #tpu.memory_space<vmem>>
    %dma_wait3A_182 = tpu.memref_squeeze %dma_wait3A_181 : memref<1x8x4x512xf32, #tpu.memory_space<vmem>> -> memref<8x4x512xf32, #tpu.memory_space<vmem>>
    tpu.wait_dma2 semaphore(%arg17 : memref<!tpu.dma_semaphore, #tpu.memory_space<semaphore_mem>>) src(%dma_wait3A_182 : memref<8x4x512xf32, #tpu.memory_space<vmem>>) dst(%dma_wait3A_177 : memref<8x4x512xf32, #tpu.memory_space<hbm>>)
    %swap3A = arith.constant 0 : index
    %swap3A_183 = tpu.vector_load %arg14[%swap3A] {strides = array<i32>} : memref<16xf32, #tpu.memory_space<vmem>>, vector<16xf32>,
    tpu.vector_store %arg14[%swap3A], %parallel_loop3A_131 {strides = array<i32>} : memref<16xf32, #tpu.memory_space<vmem>>, vector<16xf32>,
    "tpu.region"() ({
      %run_scoped3A = tpu.sem_alloc : memref<!tpu.dma_semaphore, #tpu.memory_space<semaphore_mem>>
      %dma_start3A_184 = arith.constant 0 : i32
      %dma_start3A_185 = tpu.memref_slice %arg7[%add3A, %dma_start3A_184] : memref<32x16xf32, #tpu.memory_space<hbm>> -> memref<1x16xf32, #tpu.memory_space<hbm>>
      %dma_start3A_186 = tpu.memref_squeeze %dma_start3A_185 : memref<1x16xf32, #tpu.memory_space<hbm>> -> memref<16xf32, #tpu.memory_space<hbm>>
      %dma_start3A_187 = arith.constant 0 : i32
      %dma_start3A_188 = tpu.memref_slice %arg7[%add3A, %dma_start3A_187] : memref<32x16xf32, #tpu.memory_space<hbm>> -> memref<1x16xf32, #tpu.memory_space<hbm>>
      %dma_start3A_189 = tpu.memref_squeeze %dma_start3A_188 : memref<1x16xf32, #tpu.memory_space<hbm>> -> memref<16xf32, #tpu.memory_space<hbm>>
      tpu.enqueue_dma source(%arg14 : memref<16xf32, #tpu.memory_space<vmem>>) target(%dma_start3A_189 : memref<16xf32, #tpu.memory_space<hbm>>) target_semaphore(%run_scoped3A : memref<!tpu.dma_semaphore, #tpu.memory_space<semaphore_mem>>)
      %dma_wait3A_190 = arith.constant 0 : i32
      %dma_wait3A_191 = tpu.memref_slice %arg7[%add3A, %dma_wait3A_190] : memref<32x16xf32, #tpu.memory_space<hbm>> -> memref<1x16xf32, #tpu.memory_space<hbm>>
      %dma_wait3A_192 = tpu.memref_squeeze %dma_wait3A_191 : memref<1x16xf32, #tpu.memory_space<hbm>> -> memref<16xf32, #tpu.memory_space<hbm>>
      %dma_wait3A_193 = arith.constant 0 : i32
      %dma_wait3A_194 = tpu.memref_slice %arg7[%add3A, %dma_wait3A_193] : memref<32x16xf32, #tpu.memory_space<hbm>> -> memref<1x16xf32, #tpu.memory_space<hbm>>
      %dma_wait3A_195 = tpu.memref_squeeze %dma_wait3A_194 : memref<1x16xf32, #tpu.memory_space<hbm>> -> memref<16xf32, #tpu.memory_space<hbm>>
      tpu.wait_dma2 semaphore(%run_scoped3A : memref<!tpu.dma_semaphore, #tpu.memory_space<semaphore_mem>>) src(%arg14 : memref<16xf32, #tpu.memory_space<vmem>>) dst(%dma_wait3A_195 : memref<16xf32, #tpu.memory_space<hbm>>)
      tpu.yield
    }) : () -> ()
    return
  }
}

module attributes {stable_mosaic.version = 14 : i64} {
  func.func @_loss_body(%arg0: memref<32x16xf32, #tpu.memory_space<vmem>>, %arg1: memref<1x1xf32, #tpu.memory_space<vmem>>) attributes {dimension_semantics = [], scalar_prefetch = 0 : i64, scratch_operands = 0 : i64, tpu.core_type = #tpu.core_type<tc>} {
    %get3A = arith.constant 0 : index
    %get3A_0 = arith.constant 0 : index
    %get3A_1 = vector.load %arg0[%get3A, %get3A_0] : memref<32x16xf32, #tpu.memory_space<vmem>>, vector<32x16xf32>
    %reduce_sum3A = vector.shape_cast %get3A_1 : vector<32x16xf32> to vector<1x32x16xf32>
    %reduce_sum3A_2 = arith.constant dense<0.000000e+00> : vector<1xf32>
    %reduce_sum3A_3 = vector.multi_reduction <add>, %reduce_sum3A, %reduce_sum3A_2 [1, 2] : vector<1x32x16xf32> to vector<1xf32>
    %reduce_sum3A_4 = vector.shape_cast %reduce_sum3A_3 : vector<1xf32> to vector<1x1x1xf32>
    %reduce_sum3A_5 = vector.extract %reduce_sum3A_4[0, 0, 0] : f32 from vector<1x1x1xf32>
    %mul3A = arith.constant 3.05175774E-7 : f32
    %mul3A_6 = arith.mulf %reduce_sum3A_5, %mul3A : f32
    %sub3A = arith.constant 1.000000e+00 : f32
    %sub3A_7 = arith.subf %sub3A, %mul3A_6 : f32
    %reshape3A = vector.broadcast %sub3A_7 : f32 to vector<1x1xf32>
    %swap3A = arith.constant 0 : index
    %swap3A_8 = arith.constant 0 : index
    %swap3A_9 = vector.load %arg1[%swap3A, %swap3A_8] : memref<1x1xf32, #tpu.memory_space<vmem>>, vector<1x1xf32>
    tpu.vector_store %arg1[%swap3A, %swap3A_8], %reshape3A {strides = array<i32>} : memref<1x1xf32, #tpu.memory_space<vmem>>, vector<1x1xf32>,
    return
  }
}

module attributes {stable_mosaic.version = 14 : i64} {
  func.func @_copy_body(%arg0: i32, %arg1: memref<8x4x16384xf32, #tpu.memory_space<vmem>>, %arg2: memref<8x4x16384xf32, #tpu.memory_space<vmem>>) attributes {dimension_semantics = [#tpu.dimension_semantics<arbitrary>], iteration_bounds = array<i64: 25>, scalar_prefetch = 0 : i64, scratch_operands = 0 : i64, tpu.core_type = #tpu.core_type<tc>, window_params = [{transform_indices = @transform_0, window_bounds = array<i64: 8, 4, 16384>}, {transform_indices = @transform_1, window_bounds = array<i64: 8, 4, 16384>}]} {
    %get3A = arith.constant 0 : index
    %get3A_0 = arith.constant 0 : index
    %get3A_1 = arith.constant 0 : index
    %get3A_2 = vector.load %arg1[%get3A, %get3A_0, %get3A_1] : memref<8x4x16384xf32, #tpu.memory_space<vmem>>, vector<8x4x16384xf32>
    %swap3A = arith.constant 0 : index
    %swap3A_3 = arith.constant 0 : index
    %swap3A_4 = arith.constant 0 : index
    %swap3A_5 = vector.load %arg2[%swap3A, %swap3A_3, %swap3A_4] : memref<8x4x16384xf32, #tpu.memory_space<vmem>>, vector<8x4x16384xf32>
    tpu.vector_store %arg2[%swap3A, %swap3A_3, %swap3A_4], %get3A_2 {strides = array<i32>} : memref<8x4x16384xf32, #tpu.memory_space<vmem>>, vector<8x4x16384xf32>,
    return
  }
  func.func @transform_0(%arg0: i32) -> (i32, i32, i32) {
    %c0_i32 = arith.constant 0 : i32
    %c0_i32_0 = arith.constant 0 : i32
    %c0_i32_1 = arith.constant 0 : i32
    return %arg0, %c0_i32, %c0_i32_0 : i32, i32, i32
  }
  func.func @transform_1(%arg0: i32) -> (i32, i32, i32) {
    %c0_i32 = arith.constant 0 : i32
    %c0_i32_0 = arith.constant 0 : i32
    %c0_i32_1 = arith.constant 0 : i32
    return %arg0, %c0_i32, %c0_i32_0 : i32, i32, i32
  }
}

</mosaic_0001>

<sc_bundles>
// kernel: kernel.5.cloned.1.call-start
scs
__scs_entry_jumppad:
0x0: {  	(pc) =	sbr.rel $0x88, $3  }
0x1: {  	(tag) =	ssettag $0x0;
	lr =	simm.s32 $0x1  }
0x2: {  	[smem:$0x3F9C] =	sst lr;
	_ =	strace $0xD0000000  }
0x3: {  	_ = 	snop  }
0x4: {  	_ = 	snop  }
0x5: {  	_ = 	snop  }
0x6: {  	_ = 	snop  }
0x7: {  	_ = 	snop  }
__scs_overlays_trampoline_lowered:
0x8: {  	[smem:$0x3FAB] =	sst s0  }
0x9: {  	[smem:$0x3FAC] =	sst s1  }
0xa: {  	[smem:$0x3FAD] =	sst s2  }
0xb: {  	[smem:$0x3FAE] =	sst s3  }
0xc: {  	[smem:$0x3FAF] =	sst s4  }
0xd: {  	[smem:$0x3FB0] =	sst s5  }
0xe: {  	[smem:$0x3FB1] =	sst s6  }
0xf: {  	[smem:$0x3FB2] =	sst s7  }
0x10: {  	[smem:$0x3FB3] =	sst s8  }
0x11: {  	[smem:$0x3FB4] =	sst s9;
	s0 =	simm.s32 @!p0 $0x0  }
0x12: {  	s1 =	sld [smem:$0x3F9A];
	s0 =	simm.s32 @p0 $0x1  }
0x13: {  	[smem:$0x3FB5] =	sst s0;
	s0 =	simm.s32 @!p1 $0x0  }
0x14: {  	s2 =	sld [smem:$0x3F99];
	s0 =	simm.s32 @p1 $0x1  }
0x15: {  	[smem:$0x3FB6] =	sst s0;
	s0 =	simm.s32 @!p2 $0x0  }
0x16: {  	s3 =	sld [smem:$0x3FDB];
	s0 =	simm.s32 @p2 $0x1  }
0x17: {  	s4 =	simm.s32 $0x1BF5;
	[smem:$0x3FB8] =	sst s0  }
0x18: {  	s0 =	sld [smem:$0x3F9B];
	_ =	swait.ge [sflag:s4], $0x0  }
0x19: {  	s7 =	sld [smem:$0x3F9C]  }
0x1a: {  	s8 =	sadd.s32 $0xFFFFE003, lr  }
0x1b: {  	s9 =	sadd.s32 $0xFFFFFEF7, lr;
	s5 =	simm.s32 $0xFFFFFFFF;
	p2 =	slt.u32 s8, $0xFFFFF086  }
0x1c: {  	p1 =	slt.u32 s9, $0xF7A;
	s5 =	simm.s32 @!p2 $0x0  }
0x1d: {  	s5 =	simm.s32 @p1 $0x1;
	p0 =	seq.s32 s7, s2  }
0x1e: {  	s7 =	smul.u32 @!p0 $0xF7A, s2;
	p2 =	seq.s32 @!p0 s5, $0x0  }
0x1f: {  	s9 =	smul.u32 $0xF7A, s1;
	s8 =	simm.s32 @!p0 $0x1BF5;
	p2 =	por !p2, p0  }
0x20: {  	[sflag:s8] =	ssyncset.s32 @!p0 $0xFFFFF086;
	s6 =	sadd.s32 @!p0 s3, s7;
	s7 =	simm.s32 @!p0 $0x108  }
0x21: {  	s3 =	sadd.s32 s3, s9;
	s6 =	sadd.s32 @!p0 $0x88, s6;
	s7 =	simm.s32 @p2 $0x1082  }
0x22: {  	[simem:s7], [sflag:s8] =	dma.local @!p0 [hbm:s6], $0xF7A  }
0x23: {  	s9 =	sor.u32 $0xD0000000, s2;
	s6 =	simm.s32 $0x108;
	_ =	swait.ge @!p0 [sflag:s8], $0x0  }
0x24: {  	s3 =	sadd.s32 $0x88, s3;
	s6 =	simm.s32 @!p1 $0x1082;
	[sflag:s4] =	ssyncset.s32 $0xFFFFF086  }
0x25: {  	[simem:s6], [sflag:s4] =	dma.local [hbm:s3], $0xF7A  }
0x26: {  	[smem:$0x3F9C] =	sst s1;
	(tag) =	ssettag s2;
	_ =	strace s9  }
0x27: {  	s1 =	sld [smem:$0x3FAC]  }
0x28: {  	s2 =	sld [smem:$0x3FAD]  }
0x29: {  	s4 =	sld [smem:$0x3FAF]  }
0x2a: {  	p0 =	seq.s32 s5, $0x0;
	s5 =	sld [smem:$0x3FB0]  }
0x2b: {  	s6 =	sld [smem:$0x3FB1]  }
0x2c: {  	s7 =	sld [smem:$0x3FB2]  }
0x2d: {  	s3 =	simm.s32 $0x108;
	s8 =	sld [smem:$0x3FB3]  }
0x2e: {  	s3 =	simm.s32 @!p0 $0x1082;
	s9 =	sld [smem:$0x3FB4]  }
0x2f: {  	lr =	sadd.s32 s0, s3;
	s0 =	sld [smem:$0x3FAB]  }
0x30: {  	s3 =	sld [smem:$0x3FAE]  }
0x31: {  	[smem:$0x3FB7] =	sst s10  }
0x32: {  	s10 =	sld [smem:$0x3FB5];
	_ =	sdelay $0x3  }
0x33: {  	p0 =	seq.s32 s10, $0x1;
	s10 =	sld [smem:$0x3FB7];
	_ =	sdelay $0x3  }
0x34: {  	[smem:$0x3FB7] =	sst s10  }
0x35: {  	s10 =	sld [smem:$0x3FB6];
	_ =	sdelay $0x3  }
0x36: {  	p1 =	seq.s32 s10, $0x1;
	s10 =	sld [smem:$0x3FB7];
	_ =	sdelay $0x3  }
0x37: {  	[smem:$0x3FB7] =	sst s10  }
0x38: {  	s10 =	sld [smem:$0x3FB8]  }
0x39: {  	_ = 	snop;
	(pc) =	sbr.ind lr, $3  }
0x3a: {  	_ = 	snop  }
0x3b: {  	_ = 	snop  }
0x3c: {  	p2 =	seq.s32 s10, $0x1;
	s10 =	sld [smem:$0x3FB7]  }
0x3d: {  	_ =	shalt  }
0x3e: {  	_ =	shalt  }
0x3f: {  	_ =	shalt  }
0x40: {  	_ =	shalt  }
0x41: {  	_ =	shalt  }
0x42: {  	_ =	shalt  }
0x43: {  	_ =	shalt  }
0x44: {  	_ =	shalt  }
0x45: {  	_ =	shalt  }
0x46: {  	_ =	shalt  }
0x47: {  	_ =	shalt  }
0x48: {  	_ =	shalt  }
0x49: {  	_ =	shalt  }
0x4a: {  	_ =	shalt  }
0x4b: {  	_ =	shalt  }
0x4c: {  	_ =	shalt  }
0x4d: {  	_ =	shalt  }
0x4e: {  	_ =	shalt  }
0x4f: {  	_ =	shalt  }
0x50: {  	_ =	shalt  }
0x51: {  	_ =	shalt  }
0x52: {  	_ =	shalt  }
0x53: {  	_ =	shalt  }
0x54: {  	_ =	shalt  }
0x55: {  	_ =	shalt  }
0x56: {  	_ =	shalt  }
0x57: {  	_ =	shalt  }
0x58: {  	_ =	shalt  }
0x59: {  	_ =	shalt  }
0x5a: {  	_ =	shalt  }
0x5b: {  	_ =	shalt  }
0x5c: {  	_ =	shalt  }
0x5d: {  	_ =	shalt  }
0x5e: {  	_ =	shalt  }
0x5f: {  	_ =	shalt  }
0x60: {  	_ =	shalt  }
0x61: {  	_ =	shalt  }
0x62: {  	_ =	shalt  }
0x63: {  	_ =	shalt  }
0x64: {  	_ =	shalt  }
0x65: {  	_ =	shalt  }
0x66: {  	_ =	shalt  }
0x67: {  	_ =	shalt  }
0x68: {  	_ =	shalt  }
0x69: {  	_ =	shalt  }
0x6a: {  	_ =	shalt  }
0x6b: {  	_ =	shalt  }
0x6c: {  	_ =	shalt  }
0x6d: {  	_ =	shalt  }
0x6e: {  	_ =	shalt  }
0x6f: {  	_ =	shalt  }
0x70: {  	_ =	shalt  }
0x71: {  	_ =	shalt  }
0x72: {  	_ =	shalt  }
0x73: {  	_ =	shalt  }
0x74: {  	_ =	shalt  }
0x75: {  	_ =	shalt  }
0x76: {  	_ =	shalt  }
0x77: {  	_ =	shalt  }
0x78: {  	_ =	shalt  }
0x79: {  	_ =	shalt  }
0x7a: {  	_ =	shalt  }
0x7b: {  	_ =	shalt  }
0x7c: {  	_ =	shalt  }
0x7d: {  	_ =	shalt  }
0x7e: {  	_ =	shalt  }
0x7f: {  	_ =	shalt  }
0x80: {  	_ =	shalt  }
0x81: {  	_ =	shalt  }
0x82: {  	_ =	shalt  }
0x83: {  	_ =	shalt  }
0x84: {  	_ =	shalt  }
0x85: {  	_ =	shalt  }
0x86: {  	_ =	shalt  }
0x87: {  	_ =	shalt  }
.Lfunc_end0:
.L_simem_size_0:
called_computation_lowered:
.L_overlay_start_0:
0x88: {  	s2 =	sld [smem:$0x3FD9]  }
0x89: {  	s3 =	sld [smem:$0x3FFE];
	_ =	sdelay $0x1  }
0x8a: {  	s1 =	srdreg.scid  }
0x8b: {  	s0 =	sand.u32 $0x1, s1  }
0x8c: {  	s14 =	sshll.u32 s0, $0xA;
	s2 =	sadd.s32 s3, s2  }
0x8d: {  	s2 =	sadd.s32 s2, s14  }
0x8e: {  	[smem:$0x3FC3] =	sst s2  }
0x8f: {  	_ = 	snop  }
0x90: {  	s2 =	sld [smem:$0x3FD0];
	_ =	sdelay $0x1  }
0x91: {  	s15 =	sld [smem:$0x3FC9]  }
0x92: {  	s5 =	simm.s32 $0xA;
	s6 =	simm.s32 $0x10;
	s4 =	sld [smem:$0x3FC8]  }
0x93: {  	[smem:s6], [sflag:s5] =	dma.local [hbm:s2], $0x1  }
0x94: {  	_ =	swait.eq [sflag:s5], $0x1  }
0x95: {  	[sflag:s5] =	ssyncset.done $0x0  }
0x96: {  	[sflag:s5] =	ssyncadd.s32 $0xFFFFFFFF  }
0x97: {  	s16 =	sld [smem:$0x11];
	(tm) =	ssettm $0x1  }
0x98: {  	s17 =	sld [smem:$0x3FFB];
	_ =	sdelay $0x3  }
0x99: {  	_ =	strace s17  }
0x9a: {  	s5 =	sld [smem:$0x3FFC];
	_ =	sdelay $0x3  }
0x9b: {  	_ =	strace s5  }
0x9c: {  	s5 =	sld [smem:$0x3FFD];
	_ =	sdelay $0x3  }
0x9d: {  	_ =	strace s5  }
0x9e: {  	_ =	strace $0x8FFFFFFF  }
0x9f: {  	s18 =	sld [smem:$0x3FDB];
	_ =	sdelay $0x1  }
0xa0: {  	s19 =	simm.s32 $_scs_section_size  }
0xa1: {  	s7 =	simm.s32 $_size__tile_overlayer_lowered;
	s8 =	simm.s32 $_tile_overlayer_lowered  }
0xa2: {  	s22 =	simm.s32 $0x1BFF;
	s21 =	sshll.u32 s8, $0x1;
	s5 =	sadd.s32 s19, s18  }
0xa3: {  	s9 =	simm.s32 $0x0;
	s20 =	sshll.u32 s7, $0x1;
	s7 =	sadd.s32 s21, s5  }
0xa4: {  	[timem:s9], [sflag:s22] =	dma.local [hbm:s7], s20  }
0xa5: {  	_ =	swait.ge [sflag:s22], s20  }
0xa6: {  	s6 =	ssub.s32 $0x0, s20;
	[sflag:s22] =	ssyncset.done $0x0  }
0xa7: {  	[sflag:s22] =	ssyncadd.s32 s6;
	_ =	sdelay $0x1  }
0xa8: {  	s23 =	simm.s32 $0x1B8B  }
0xa9: {  	_ =	swait.ge [sflag:s23], $0x1  }
0xaa: {  	[sflag:s23] =	ssyncset.done $0x0  }
0xab: {  	s25 =	simm.s32 $0x1B8E;
	s24 =	sld [smem:$0x3FFE];
	[sflag:s23] =	ssyncadd.s32 $0xFFFFFFFF  }
0xac: {  	s26 =	simm.s32 $execute0_lowered;
	[smem:$0x3FD2] =	sst s25  }
0xad: {  	s7 =	sshll.u32 s26, $0x1;
	_ =	strace $0x80000046;
	[dreg:$0x1] =	wrdreg $0xFFFFFFFF  }
0xae: {  	s28 =	simm.s32 $_size_execute0_lowered;
	s5 =	sadd.s32 s5, s7;
	[dreg:$0x0] =	wrdreg $0x0  }
0xaf: {  	s7 =	sshll.u32 s28, $0x1;
	[dreg:$0x2] =	wrdreg s5  }
0xb0: {  	[dreg:$0x3] =	wrdreg s7  }
0xb1: {  	[dreg:$0x4] =	wrdreg $0xC0  }
0xb2: {  	_ =	task [dreg:s9], $0x5FFFF  }
0xb3: {  	[dreg:$0x1] =	wrdreg $0xFFFFFFFF  }
0xb4: {  	[dreg:$0x0] =	wrdreg $0x60  }
0xb5: {  	[dreg:$0x2] =	wrdreg s15  }
0xb6: {  	[dreg:$0x3] =	wrdreg s4  }
0xb7: {  	[dreg:$0x4] =	wrdreg s24  }
0xb8: {  	[dreg:$0x5] =	wrdreg s16  }
0xb9: {  	[dreg:$0x6] =	wrdreg $0x9  }
0xba: {  	_ =	task.clear_ibuf [dreg:s9], $0x7FFFF;
	_ =	strace $0x90000046  }
0xbb: {  	s29 =	simm.s32 $0x9;
	_ =	strace $0x80000048  }
0xbc: {  	_ =	swait.ge [sflag:s29], $0x1  }
0xbd: {  	[sflag:s29] =	ssyncadd.s32 $0xFFFFFFFF  }
0xbe: {  	_ =	strace $0x90000048  }
0xbf: {  	_ =	sfence  }
0xc0: {  	s30 =	sld [smem:$0x0];
	_ =	sdelay $0x2  }
0xc1: {  	s31 =	sshll.u32 s1, $0xD;
	s1 =	sshrl.u32 s1, $0x2  }
0xc2: {  	s3 =	sand.u32 $0x4000, s31;
	s1 =	sadd.s32 s1, s30  }
0xc3: {  	s0 =	sor.u32 s3, s0;
	s1 =	sshll.u32 s1, $0x11  }
0xc4: {  	s0 =	sor.u32 s1, s0  }
0xc5: {  	s0 =	sadd.s32 $0x8F2B, s0  }
0xc6: {  	[sflag:s0] =	ssyncadd.remote.s32 $0x1  }
0xc7: {  	_ =	sfence.sel $0xFFFF  }
0xc8: {  	[dreg:$0x0] =	wrdreg $0xFFFFFFFF;
	(pc) =	sbr.abs _section_cstart, $3  }
0xc9: {  	[dreg:$0x1] =	wrdreg $0xFFFFFFFF  }
0xca: {  	_ =	task.clear_ibuf [dreg:s9], $0x2FFFF;
	_ =	strace $0x9FFFFFFF  }
0xcb: {  	(tm) =	ssettm $0x7FFFFFFF  }
tec
execute0_lowered:
.L_overlay_start_1:
0x0: {  	(tag) =	ssettag $0x1  }
0x1: {  	s1 =	rddreg [dreg:$0x0]  }
0x2: {  	s2 =	rddreg [dreg:$0x1]  }
0x3: {  	s0 =	rddreg [dreg:$0x2]  }
0x4: {  	s3 =	rddreg [dreg:$0x3];
	s5 =	simm.s32 $0x0  }
0x5: {  	s4 =	srdreg.scid;
	s6 =	stileid.u32;
	s15 =	simm.s32 $0x5  }
0x6: {  	s16 =	simm.s32 $0x800;
	s17 =	simm.s32 $0x980;
	s18 =	simm.s32 $0x10000  }
0x7: {  	s19 =	simm.s32 $0x2980;
	s20 =	simm.s32 $0x1980;
	s21 =	simm.s32 $0x6980  }
0x8: {  	s28 =	simm.s32 $0x4;
	s30 =	simm.s32 $0x0;
	s31 =	simm.s32 $0x0  }
0x9: {  	[smem:$0x7FF] =	sst s5;
	s4 =	sand.u32 $0x1, s4;
	s6 =	sshll.u32 s6, $0x1  }
0xa: {  	s7 =	sadd.s32 $0xC00, s0;
	s22 =	sadd.s32 $0xA00, s0;
	_ =	strace $0x80000047  }
0xb: {  	[dreg:$0x5] =	wrdreg s7;
	s6 =	sor.u32 s4, s6;
	s4 =	ssub.s32 $0x2, s4  }
0xc: {  	[dreg:$0x6] =	wrdreg s22;
	s22 =	simm.s32 $0x1;
	s23 =	sshll.u32 s6, $0x4  }
0xd: {  	s8 =	sshrl.u32 s4, $0x1;
	s24 =	sshll.u32 s6, $0x9;
	s25 =	sshll.u32 s6, $0x8  }
0xe: {  	s10 =	sshll.u32 s6, $0xB;
	s0 =	sadd.s32 s23, s0;
	s4 =	ssub.s32 s4, s8  }
0xf: {  	s8 =	sshll.u32 s6, $0xC;
	s7 =	sadd.s32 s1, s24;
	s26 =	sadd.s32 s2, s25  }
0x10: {  	s29 =	sadd.s32 s25, s3;
	s23 =	simm.s32 $0xA980;
	[dreg:$0x7] =	wrdreg s7  }
0x11: {  	s24 =	simm.s32 $0x2;
	[dreg:$0x8] =	wrdreg s26;
	s6 =	sadd.s32 $0x180000, s29  }
0x12: {  	v0 =	vlaneseq.u32;
	s25 =	simm.s32 $0xE980;
	s0 =	sadd.s32 $0xE00, s0;
	[dreg:$0x9] =	wrdreg s6  }
0x13: {  	v0 =	vmul.u32 $0x4, v0;
	s14 =	smax.u32 s4, $0x1;
	s26 =	simm.s32 $0x3;
	[dreg:$0xa] =	wrdreg s0  }
.LBB2_1:
0x14: {  	s0 =	simm.s32 $0x400;
	s4 =	rddreg [dreg:$0x5]  }
0x15: {  	[tilespmem:s0], [sflag:$0x5] =	stream.linear.gather [hbm4b:s4+s5], $0x400, $0x38;
	[tilespmem:$0x12A00] =	vst v63  }
0x16: {  	_ =	swait.ge [sflag:s15], $0x400  }
0x17: {  	[sflag:s15] =	ssyncset.done $0x0  }
0x18: {  	s13 =	rddreg [dreg:$0x6];
	[sflag:s15] =	ssyncadd.s32 $0xFFFFFC00  }
0x19: {  	[tilespmem:s16], [sflag:$0x5] =	stream.linear.gather [hbm4b:s13+s5], $0x180, $0x38;
	[tilespmem:$0x12A00] =	vst v63  }
0x1a: {  	_ =	swait.ge [sflag:s15], $0x180  }
0x1b: {  	[sflag:s15] =	ssyncset.done $0x0  }
0x1c: {  	[sflag:s15] =	ssyncadd.s32 $0xFFFFFE80  }
0x1d: {  	v1 =	vld [tilespmem:$0x800]  }
0x1e: {  	v2 =	vld [tilespmem:$0x810]  }
0x1f: {  	v3 =	vld [tilespmem:$0x820]  }
0x20: {  	v4 =	vld [tilespmem:$0x830]  }
0x21: {  	v5 =	vld [tilespmem:$0x840]  }
0x22: {  	v6 =	vld [tilespmem:$0x850]  }
0x23: {  	v7 =	vld [tilespmem:$0x860]  }
0x24: {  	v8 =	vld [tilespmem:$0x880]  }
0x25: {  	v9 =	vld [tilespmem:$0x890]  }
0x26: {  	v10 =	vld [tilespmem:$0x8A0]  }
0x27: {  	v11 =	vld [tilespmem:$0x8C0]  }
0x28: {  	v12 =	vld [tilespmem:$0x8D0]  }
0x29: {  	v13 =	vld [tilespmem:$0x900]  }
0x2a: {  	s29 =	sand.u32 $0xF0, s5;
	v19 =	vld [tilespmem:s0+$0x0]  }
0x2b: {  	v20 =	vld [tilespmem:s29+$0x500]  }
0x2c: {  	v14 =	vld [tilespmem:$0x910]  }
0x2d: {  	v15 =	vld [tilespmem:$0x920]  }
0x2e: {  	v22 =	vld [tilespmem:s29+$0x600]  }
0x2f: {  	v16 =	vld [tilespmem:$0x930];
	v18 =	vmul.f32 v19, v1;
	v21 =	vmul.f32 v19, v5  }
0x30: {  	v23 =	vld [tilespmem:s29+$0x700];
	v24 =	vmul.f32 v19, v8;
	v25 =	vmul.f32 v20, v12  }
0x31: {  	v17 =	vld [tilespmem:$0x870];
	v27 =	vmul.f32 v20, v2;
	v28 =	vmul.f32 v20, v6;
	v26 =	vadd.f32 v18, v13  }
0x32: {  	v29 =	vmul.f32 v19, v11;
	v30 =	vmul.f32 v20, v9;
	v21 =	vadd.f32 v21, v14;
	v18 =	vld [tilespmem:$0x8E0]  }
0x33: {  	v19 =	vld [tilespmem:$0x8B0];
	v63 =	vmul.f32 v22, v7;
	v26 =	vadd.f32 v27, v26;
	v27 =	vmul.f32 v22, v3  }
0x34: {  	v20 =	vld [tilespmem:$0x8F0];
	v31 =	vmul.f32 v22, v10;
	v24 =	vadd.f32 v24, v15;
	v21 =	vadd.f32 v28, v21  }
0x35: {  	v29 =	vadd.f32 v29, v16;
	v26 =	vadd.f32 v27, v26;
	v27 =	vmul.f32 v23, v4  }
0x36: {  	v32 =	vmul.f32 v23, v17;
	v24 =	vadd.f32 v30, v24;
	v28 =	vadd.f32 v63, v21  }
0x37: {  	v25 =	vadd.f32 v25, v29;
	v21 =	vadd.f32 v27, v26;
	v26 =	vmul.f32 v22, v18  }
0x38: {  	v24 =	vadd.f32 v31, v24;
	v22 =	vadd.f32 v32, v28;
	v27 =	vmul.f32 v23, v19  }
0x39: {  	v25 =	vadd.f32 v26, v25;
	v26 =	vmul.f32 v23, v20  }
0x3a: {  	v23 =	vadd.f32 v27, v24;
	v27 =	vmul.f32 v21, v21;
	v28 =	vmul.f32 v22, v22;
	_ =	sdelay $0x1  }
0x3b: {  	v24 =	vadd.f32 v26, v25;
	v25 =	vadd.f32 v28, v27;
	v26 =	vmul.f32 v23, v23;
	_ =	sdelay $0x1  }
0x3c: {  	v25 =	vadd.f32 v25, v26;
	v26 =	vmul.f32 v24, v24;
	_ =	sdelay $0x1  }
0x3d: {  	v25 =	vadd.f32 v25, v26;
	_ =	sdelay $0x1  }
0x3e: {  	v26 =	vshra.s32 v25, $0x1  }
0x3f: {  	s6 =	simm.s32 $0x10;
	s4 =	simm.s32 $0x0;
	v25 =	vmul.f32 $5.000000000e-01, v25;
	v26 =	vsub.s32 $0x5F3759DF, v26  }
.LBB2_2:
0x40: {  	p0 =	sne.s32 s6, $0xF0  }
0x41: {  	v27 =	vmul.f32 v26, v25;
	s0 =	sadd.s32 $0x10, s0;
	s7 =	smov.u32 s6;
	s6 =	sadd.s32 $0x10, s6  }
0x42: {  	_ = 	snop  }
0x43: {  	v27 =	vmul.f32 v26, v27  }
0x44: {  	s9 =	sand.u32 $0xF0, s7  }
0x45: {  	v27 =	vsub.f32 $1.500000000e+00, v27;
	_ =	sdelay $0x1  }
0x46: {  	v26 =	vmul.f32 v26, v27;
	_ =	sdelay $0x1  }
0x47: {  	v27 =	vmul.f32 v26, v25;
	_ =	sdelay $0x1  }
0x48: {  	v27 =	vmul.f32 v27, v26;
	_ =	sdelay $0x1  }
0x49: {  	v27 =	vsub.f32 $1.500000000e+00, v27;
	_ =	sdelay $0x1  }
0x4a: {  	v26 =	vmul.f32 v27, v26;
	_ =	sdelay $0x1  }
0x4b: {  	v25 =	vmul.f32 v26, v25;
	_ =	sdelay $0x1  }
0x4c: {  	v25 =	vmul.f32 v25, v26  }
0x4d: {  	v27 =	vmov s4;
	s4 =	smov.u32 s7  }
0x4e: {  	v27 =	vshll.u32 v27, $0x2;
	v25 =	vsub.f32 $1.500000000e+00, v25  }
0x4f: {  	v27 =	vor.u32 v0, v27  }
0x50: {  	v25 =	vmul.f32 v25, v26;
	v26 =	vor.u32 $0x1, v27  }
0x51: {  	v28 =	vor.u32 $0x2, v27  }
0x52: {  	v29 =	vor.u32 $0x3, v27;
	v21 =	vmul.f32 v25, v21;
	v22 =	vmul.f32 v25, v22  }
0x53: {  	v23 =	vmul.f32 v25, v23;
	v24 =	vmul.f32 v25, v24  }
0x54: {  	[tilespmem:v27+s5+$0x0] =	vst.idx.msk $0xffff, v21  }
0x55: {  	[tilespmem:v26+s5+$0x0] =	vst.idx.msk $0xffff, v22  }
0x56: {  	[tilespmem:v28+s5+$0x0] =	vst.idx.msk $0xffff, v23  }
0x57: {  	[tilespmem:v29+s5+$0x0] =	vst.idx.msk $0xffff, v24  }
0x58: {  	v21 =	vld [tilespmem:s0+$0x0]  }
0x59: {  	v22 =	vld [tilespmem:s9+$0x500]  }
0x5a: {  	v23 =	vld [tilespmem:s9+$0x700];
	_ =	sdelay $0x1  }
0x5b: {  	v24 =	vld [tilespmem:s9+$0x600]  }
0x5c: {  	v25 =	vmul.f32 v21, v1;
	v26 =	vmul.f32 v21, v5  }
0x5d: {  	v27 =	vmul.f32 v21, v8;
	v28 =	vmul.f32 v22, v12  }
0x5e: {  	v29 =	vmul.f32 v22, v2;
	v25 =	vadd.f32 v25, v13;
	v26 =	vadd.f32 v26, v14  }
0x5f: {  	v21 =	vmul.f32 v21, v11;
	v30 =	vmul.f32 v22, v6;
	v27 =	vadd.f32 v27, v15  }
0x60: {  	v22 =	vmul.f32 v22, v9;
	v25 =	vadd.f32 v29, v25;
	v29 =	vmul.f32 v24, v3  }
0x61: {  	v31 =	vadd.f32 v21, v16;
	v26 =	vadd.f32 v30, v26;
	v30 =	vmul.f32 v24, v7  }
0x62: {  	v21 =	vadd.f32 v29, v25;
	v25 =	vmul.f32 v23, v4;
	v29 =	vmul.f32 v24, v10  }
0x63: {  	v27 =	vadd.f32 v22, v27;
	v26 =	vadd.f32 v30, v26;
	v30 =	vmul.f32 v23, v17  }
0x64: {  	v24 =	vmul.f32 v24, v18;
	v21 =	vadd.f32 v25, v21;
	v25 =	vadd.f32 v28, v31  }
0x65: {  	v22 =	vadd.f32 v30, v26;
	v26 =	vadd.f32 v29, v27;
	v27 =	vmul.f32 v23, v19  }
0x66: {  	v24 =	vadd.f32 v24, v25;
	v25 =	vmul.f32 v23, v20  }
0x67: {  	v23 =	vadd.f32 v27, v26;
	v26 =	vmul.f32 v21, v21;
	v27 =	vmul.f32 v22, v22  }
0x68: {  	v24 =	vadd.f32 v25, v24  }
0x69: {  	v25 =	vadd.f32 v27, v26;
	v26 =	vmul.f32 v23, v23;
	_ =	sdelay $0x1  }
0x6a: {  	v25 =	vadd.f32 v25, v26;
	v26 =	vmul.f32 v24, v24  }
.Ltmp0:
0x6b: {  	(pc) =	sbr.rel @p0 .LBB2_2-.Ltmp0, $3  }
0x6c: {  	v25 =	vadd.f32 v25, v26;
	_ =	sdelay $0x1  }
0x6d: {  	v26 =	vshra.s32 v25, $0x1;
	v25 =	vmul.f32 $5.000000000e-01, v25  }
0x6e: {  	v26 =	vsub.s32 $0x5F3759DF, v26  }
0x6f: {  	v1 =	vmul.f32 v26, v25;
	_ =	sdelay $0x1  }
0x70: {  	v1 =	vmul.f32 v26, v1;
	_ =	sdelay $0x1  }
0x71: {  	v1 =	vsub.f32 $1.500000000e+00, v1;
	_ =	sdelay $0x1  }
0x72: {  	v1 =	vmul.f32 v26, v1;
	_ =	sdelay $0x1  }
0x73: {  	v2 =	vmul.f32 v1, v25;
	_ =	sdelay $0x1  }
0x74: {  	v2 =	vmul.f32 v2, v1;
	_ =	sdelay $0x1  }
0x75: {  	v2 =	vsub.f32 $1.500000000e+00, v2;
	_ =	sdelay $0x1  }
0x76: {  	v1 =	vmul.f32 v2, v1;
	_ =	sdelay $0x1  }
0x77: {  	v2 =	vmul.f32 v1, v25;
	_ =	sdelay $0x1  }
0x78: {  	v2 =	vmul.f32 v2, v1  }
0x79: {  	v3 =	vmov s4  }
0x7a: {  	v3 =	vshll.u32 v3, $0x2;
	v2 =	vsub.f32 $1.500000000e+00, v2  }
0x7b: {  	v3 =	vor.u32 v0, v3  }
0x7c: {  	v1 =	vmul.f32 v2, v1;
	v2 =	vor.u32 $0x1, v3  }
0x7d: {  	v4 =	vor.u32 $0x2, v3  }
0x7e: {  	v6 =	vor.u32 $0x3, v3;
	v5 =	vmul.f32 v1, v21  }
0x7f: {  	v7 =	vmul.f32 v1, v22  }
0x80: {  	v8 =	vmul.f32 v1, v23;
	[tilespmem:v3+s5+$0x0] =	vst.idx.msk $0xffff, v5  }
0x81: {  	v1 =	vmul.f32 v1, v24;
	[tilespmem:v2+s5+$0x0] =	vst.idx.msk $0xffff, v7  }
0x82: {  	[tilespmem:v4+s5+$0x0] =	vst.idx.msk $0xffff, v8  }
0x83: {  	s0 =	rddreg [dreg:$0x7];
	[tilespmem:v6+s5+$0x0] =	vst.idx.msk $0xffff, v1  }
0x84: {  	[tilespmem:s17], [sflag:$0x1] =	stream.linear.gather [hbm4b:s0+s31], $0x1000, $0x38;
	[tilespmem:$0x12A00] =	vst v63  }
0x85: {  	s29 =	rddreg [dreg:$0x8];
	s0 =	simm.s32 $0x0  }
0x86: {  	v1 =	vimm.f32 $0.0e+00;
	[tilespmem:s19], [sflag:$0x1] =	stream.strided.gather [hbm4b:s29+s16], $0x4000, s18, s16, $0x38;
	[tilespmem:$0x12A00] =	vst v63  }
.LBB2_4:
0x87: {  	s29 =	sshll.u32 s0, $0x4  }
0x88: {  	s4 =	sor.u32 $0x8, s29  }
0x89: {  	s6 =	sshll.u32 s4, $0xE  }
0x8a: {  	s4 =	sshll.u32 s4, $0x10;
	s6 =	sor.u32 s8, s6  }
0x8b: {  	s4 =	sor.u32 s10, s4;
	s6 =	sshrl.u32 s6, $0x3  }
0x8c: {  	s4 =	sshrl.u32 s4, $0x3;
	s6 =	sadd.s32 s1, s6  }
0x8d: {  	[tilespmem:s20], [sflag:$0x2] =	stream.linear.gather [hbm4b:s6+s5], $0x1000, $0x38;
	[tilespmem:$0x12A00] =	vst v63  }
0x8e: {  	s12 =	sadd.s32 s2, s4  }
0x8f: {  	[tilespmem:s21], [sflag:$0x2] =	stream.strided.gather [hbm4b:s12+s16], $0x4000, s18, s16, $0x38;
	[tilespmem:$0x12A00] =	vst v63  }
0x90: {  	_ =	swait.ge [sflag:s22], $0x1000  }
0x91: {  	[sflag:s22] =	ssyncset.done $0x0  }
0x92: {  	[sflag:s22] =	ssyncadd.s32 $0xFFFFF000  }
0x93: {  	_ =	swait.ge [sflag:s22], $0x4000  }
0x94: {  	p0 =	seq.s32 s0, $0x0;
	[sflag:s22] =	ssyncset.done $0x0  }
0x95: {  	s6 =	simm.s32 @!p0 $0x3;
	[sflag:s22] =	ssyncadd.s32 $0xFFFFC000  }
0x96: {  	s7 =	sand.u32 $0x3, s31;
	s9 =	simm.s32 $0x0;
	_ =	swait.ge @!p0 [sflag:s6], $0x4000  }
0x97: {  	s9 =	sand.u32 $0xFFFFF800, s9;
	s11 =	sshll.u32 s7, $0x9;
	[sflag:s6] =	ssyncset.done @!p0 $0x0  }
0x98: {  	[sflag:s6] =	ssyncadd.s32 @!p0 $0xFFFFC000;
	s6 =	sor.u32 s9, s11  }
0x99: {  	v2 =	vld [tilespmem:s6+$0x2B60]  }
0x9a: {  	v3 =	vld [tilespmem:s6+$0x2B50]  }
0x9b: {  	v10 =	vld [tilespmem:s6+$0x29F0]  }
0x9c: {  	v11 =	vld [tilespmem:s6+$0x2A70]  }
0x9d: {  	v4 =	vld [tilespmem:s6+$0x2B40]  }
0x9e: {  	v12 =	vld [tilespmem:s6+$0x29E0]  }
0x9f: {  	v13 =	vld [tilespmem:s6+$0x2A60]  }
0xa0: {  	v7 =	vld [tilespmem:s6+$0x2B30]  }
0xa1: {  	v14 =	vld [tilespmem:s6+$0x29D0]  }
0xa2: {  	v16 =	vld [tilespmem:s6+$0x2A50]  }
0xa3: {  	v5 =	vld [tilespmem:s6+$0x2B20]  }
0xa4: {  	v6 =	vld [tilespmem:s6+$0x2AB0]  }
0xa5: {  	v15 =	vld [tilespmem:s6+$0x29C0]  }
0xa6: {  	v17 =	vld [tilespmem:s6+$0x2A40]  }
0xa7: {  	v8 =	vld [tilespmem:s6+$0x2B10]  }
0xa8: {  	v9 =	vld [tilespmem:s6+$0x2AA0]  }
0xa9: {  	v18 =	vld [tilespmem:s6+$0x29B0]  }
0xaa: {  	v19 =	vld [tilespmem:s6+$0x2A30]  }
0xab: {  	v20 =	vld [tilespmem:s6+$0x2B00]  }
0xac: {  	v25 =	vld [tilespmem:s6+$0x2A90]  }
0xad: {  	v21 =	vld [tilespmem:s6+$0x29A0]  }
0xae: {  	v24 =	vld [tilespmem:s6+$0x2A20]  }
0xaf: {  	s13 =	simm.s32 $0x0;
	v23 =	vld [tilespmem:s6+$0x2A80]  }
0xb0: {  	s7 =	sshll.u32 s7, $0xA;
	s9 =	sand.u32 $0x3FFFFF80, s13;
	v22 =	vld [tilespmem:s6+$0x2990]  }
0xb1: {  	s7 =	sadd.s32 s9, s7;
	v26 =	vld [tilespmem:s6+$0x2A10]  }
0xb2: {  	v27 =	vld [tilespmem:s7+$0x9F0]  }
0xb3: {  	v28 =	vld [tilespmem:s7+$0x980]  }
0xb4: {  	v29 =	vld [tilespmem:s7+$0x9E0]  }
0xb5: {  	v30 =	vld [tilespmem:s7+$0x990]  }
0xb6: {  	v31 =	vld [tilespmem:s7+$0x9D0]  }
0xb7: {  	v32 =	vld [tilespmem:s7+$0x9A0];
	v27 =	vshll.u32 v27, $0x2  }
0xb8: {  	v33 =	vld [tilespmem:s7+$0x9B0];
	v28 =	vshll.u32 v28, $0x2  }
0xb9: {  	v34 =	vld [tilespmem:s7+$0x9C0];
	v29 =	vshll.u32 v29, $0x2  }
0xba: {  	v35 =	vld [tilespmem:s6+$0x2980];
	v30 =	vshll.u32 v30, $0x2  }
0xbb: {  	v36 =	vld [tilespmem:s6+$0x2A00];
	v31 =	vshll.u32 v31, $0x2  }
0xbc: {  	v32 =	vshll.u32 v32, $0x2;
	v37 =	vld.idx.msk [tilespmem:v27+s5+$0x0], $0xffff  }
0xbd: {  	v33 =	vshll.u32 v33, $0x2;
	v38 =	vld.idx.msk [tilespmem:v28+s5+$0x0], $0xffff  }
0xbe: {  	v34 =	vshll.u32 v34, $0x2;
	v39 =	vld.idx.msk [tilespmem:v29+s5+$0x0], $0xffff  }
0xbf: {  	v40 =	vor.u32 $0x1, v28;
	v41 =	vld.idx.msk [tilespmem:v30+s5+$0x0], $0xffff  }
0xc0: {  	v43 =	vor.u32 $0x1, v27;
	v42 =	vld.idx.msk [tilespmem:v31+s5+$0x0], $0xffff  }
0xc1: {  	v44 =	vor.u32 $0x1, v30;
	v45 =	vld.idx.msk [tilespmem:v32+s5+$0x0], $0xffff  }
0xc2: {  	v47 =	vor.u32 $0x1, v29;
	v46 =	vld.idx.msk [tilespmem:v33+s5+$0x0], $0xffff  }
0xc3: {  	v48 =	vor.u32 $0x1, v32;
	v49 =	vld.idx.msk [tilespmem:v34+s5+$0x0], $0xffff;
	[tilespmem:s6+$0xA980] =	vst v38  }
0xc4: {  	v50 =	vor.u32 $0x1, v33;
	[tilespmem:s6+$0xA9F0] =	vst v37;
	v40 =	vld.idx.msk [tilespmem:v40+s5+$0x0], $0xffff  }
0xc5: {  	v51 =	vor.u32 $0x1, v34;
	[tilespmem:s6+$0xA990] =	vst v41;
	v43 =	vld.idx.msk [tilespmem:v43+s5+$0x0], $0xffff  }
0xc6: {  	v53 =	vor.u32 $0x1, v31;
	[tilespmem:s6+$0xA9E0] =	vst v39;
	v44 =	vld.idx.msk [tilespmem:v44+s5+$0x0], $0xffff  }
0xc7: {  	v52 =	vor.u32 $0x2, v28;
	[tilespmem:s6+$0xA9A0] =	vst v45;
	v47 =	vld.idx.msk [tilespmem:v47+s5+$0x0], $0xffff  }
0xc8: {  	v54 =	vor.u32 $0x2, v30;
	[tilespmem:s6+$0xA9B0] =	vst v46;
	v48 =	vld.idx.msk [tilespmem:v48+s5+$0x0], $0xffff  }
0xc9: {  	v55 =	vor.u32 $0x2, v27;
	[tilespmem:s6+$0xA9C0] =	vst v49;
	v50 =	vld.idx.msk [tilespmem:v50+s5+$0x0], $0xffff  }
0xca: {  	v56 =	vor.u32 $0x2, v32;
	[tilespmem:s6+$0xA9D0] =	vst v42;
	v51 =	vld.idx.msk [tilespmem:v51+s5+$0x0], $0xffff  }
0xcb: {  	v57 =	vor.u32 $0x2, v33;
	v53 =	vld.idx.msk [tilespmem:v53+s5+$0x0], $0xffff;
	[tilespmem:s6+$0xAA00] =	vst v40  }
0xcc: {  	v58 =	vor.u32 $0x2, v34;
	[tilespmem:s6+$0xAA10] =	vst v44;
	v52 =	vld.idx.msk [tilespmem:v52+s5+$0x0], $0xffff  }
0xcd: {  	v37 =	vmul.f32 v10, v37;
	v42 =	vmul.f32 v14, v42;
	v14 =	vor.u32 $0x2, v31;
	[tilespmem:s6+$0xAA70] =	vst v43;
	v54 =	vld.idx.msk [tilespmem:v54+s5+$0x0], $0xffff  }
0xce: {  	v28 =	vor.u32 $0x3, v28;
	v12 =	vmul.f32 v12, v39;
	v18 =	vmul.f32 v18, v46;
	[tilespmem:s6+$0xAA20] =	vst v48;
	v10 =	vld.idx.msk [tilespmem:v55+s5+$0x0], $0xffff  }
0xcf: {  	v63 =	vor.u32 $0x2, v29;
	v46 =	vmul.f32 v15, v49;
	v41 =	vmul.f32 v22, v41;
	[tilespmem:s6+$0xAA30] =	vst v50;
	v39 =	vld.idx.msk [tilespmem:v56+s5+$0x0], $0xffff  }
0xd0: {  	v30 =	vor.u32 $0x3, v30;
	v45 =	vmul.f32 v21, v45;
	v35 =	vmul.f32 v35, v38;
	[tilespmem:s6+$0xAA40] =	vst v51;
	v49 =	vld.idx.msk [tilespmem:v57+s5+$0x0], $0xffff  }
0xd1: {  	v11 =	vmul.f32 v11, v43;
	[tilespmem:s6+$0xAA50] =	vst v53;
	v16 =	vmul.f32 v16, v53;
	v15 =	vld.idx.msk [tilespmem:v58+s5+$0x0], $0xffff  }
0xd2: {  	v32 =	vor.u32 $0x3, v32;
	v13 =	vmul.f32 v13, v47;
	v26 =	vmul.f32 v26, v44;
	v14 =	vld.idx.msk [tilespmem:v14+s5+$0x0], $0xffff;
	[tilespmem:s6+$0xAA80] =	vst v52  }
0xd3: {  	[tilespmem:s6+$0xAA60] =	vst v47;
	v57 =	vmul.f32 v19, v50;
	v19 =	vmul.f32 v17, v51;
	v21 =	vld.idx.msk [tilespmem:v28+s5+$0x0], $0xffff;
	v28 =	vor.u32 $0x3, v33  }
0xd4: {  	v60 =	vor.u32 $0x3, v31;
	v17 =	vmul.f32 v36, v40;
	v12 =	vadd.f32 v13, v12;
	v13 =	vld.idx.msk [tilespmem:v63+s5+$0x0], $0xffff;
	[tilespmem:s6+$0xAA90] =	vst v54  }
0xd5: {  	v61 =	vmul.f32 v24, v48;
	v11 =	vadd.f32 v11, v37;
	v22 =	vld.idx.msk [tilespmem:v30+s5+$0x0], $0xffff;
	v30 =	vor.u32 $0x3, v34  }
0xd6: {  	v31 =	vld [tilespmem:s6+$0x2AC0];
	v26 =	vadd.f32 v26, v41;
	v58 =	vadd.f32 v17, v35;
	[tilespmem:s6+$0xAAA0] =	vst v39;
	v59 =	vmul.f32 v23, v52  }
0xd7: {  	v24 =	vor.u32 $0x3, v27;
	v16 =	vadd.f32 v16, v42;
	[tilespmem:s6+$0xAAB0] =	vst v49;
	v63 =	vmul.f32 v25, v54;
	v23 =	vld.idx.msk [tilespmem:v32+s5+$0x0], $0xffff  }
0xd8: {  	[tilespmem:s6+$0xAAC0] =	vst v15;
	v25 =	vor.u32 $0x3, v29;
	v34 =	vadd.f32 v59, v58;
	v17 =	vld.idx.msk [tilespmem:v28+s5+$0x0], $0xffff;
	v62 =	vmul.f32 v20, v21  }
0xd9: {  	v27 =	vld [tilespmem:s6+$0x2AD0];
	v36 =	vadd.f32 v61, v45;
	v35 =	vadd.f32 v57, v18;
	v9 =	vmul.f32 v9, v39;
	[tilespmem:s6+$0xAAD0] =	vst v14  }
0xda: {  	v20 =	vld.idx.msk [tilespmem:v30+s5+$0x0], $0xffff;
	v30 =	vadd.f32 v63, v26;
	v8 =	vmul.f32 v8, v22;
	v29 =	vadd.f32 v62, v34  }
0xdb: {  	v47 =	vmul.f32 v6, v49;
	v43 =	vadd.f32 v9, v36;
	v28 =	vadd.f32 v19, v46;
	v19 =	vld.idx.msk [tilespmem:v60+s5+$0x0], $0xffff  }
0xdc: {  	s9 =	simm.s32 $0x0;
	s7 =	simm.s32 $0x0;
	[tilespmem:s6+$0xAAE0] =	vst v13;
	v26 =	vld [tilespmem:s6+$0x2AE0];
	v46 =	vmul.f32 v5, v23;
	v44 =	vadd.f32 v8, v30;
	v45 =	vmul.f32 v29, v29  }
.LBB2_5:
0xdd: {  	s7 =	sadd.s32 $0x8, s7;
	v5 =	vadd.f32 v47, v35;
	v6 =	vmul.f32 v7, v17;
	v7 =	vmul.f32 v31, v15;
	v8 =	vld.idx.msk [tilespmem:v25+s5+$0x0], $0xffff;
	s9 =	sadd.s32 $0x1, s9  }
0xde: {  	s11 =	sand.u32 $0x3, s9;
	s12 =	sshll.u32 s7, $0x6;
	p1 =	slt.u32 s7, $0xF8;
	v1 =	vadd.f32 v45, v1;
	v9 =	vmul.f32 v44, v44;
	v15 =	vadd.f32 v46, v43;
	v18 =	vld [tilespmem:s6+$0x2AF0];
	[tilespmem:s6+$0xAAF0] =	vst v10  }
0xdf: {  	v4 =	vmul.f32 v4, v20;
	s12 =	sand.u32 $0xFFFFF800, s12;
	s13 =	sshll.u32 s11, $0x9;
	v7 =	vadd.f32 v7, v28;
	v14 =	vmul.f32 v27, v14;
	v24 =	vld.idx.msk [tilespmem:v24+s5+$0x0], $0xffff  }
0xe0: {  	v5 =	vadd.f32 v6, v5;
	s12 =	sor.u32 s12, s13;
	[tilespmem:s6+$0xAB00] =	vst v21;
	v1 =	vadd.f32 v9, v1;
	v9 =	vmul.f32 v15, v15;
	v6 =	vld [tilespmem:s6+$0x2B70]  }
0xe1: {  	v15 =	vld [tilespmem:s12+$0x2B60];
	[tilespmem:s6+$0xAB10] =	vst v22;
	v14 =	vadd.f32 v14, v16;
	v16 =	vmul.f32 v3, v19;
	v21 =	vmul.f32 v26, v13  }
0xe2: {  	v5 =	vmul.f32 v5, v5;
	v4 =	vadd.f32 v4, v7;
	v3 =	vld [tilespmem:s12+$0x2B50];
	[tilespmem:s6+$0xAB20] =	vst v23;
	v1 =	vadd.f32 v9, v1  }
0xe3: {  	v2 =	vmul.f32 v2, v8;
	v13 =	vld [tilespmem:s12+$0x29F0];
	[tilespmem:s6+$0xAB30] =	vst v17;
	v7 =	vadd.f32 v21, v12;
	v9 =	vmul.f32 v18, v10  }
0xe4: {  	v14 =	vadd.f32 v16, v14;
	v12 =	vld [tilespmem:s12+$0x2A70];
	v1 =	vadd.f32 v5, v1;
	[tilespmem:s6+$0xAB40] =	vst v20;
	v5 =	vmul.f32 v4, v4  }
0xe5: {  	v4 =	vld [tilespmem:s12+$0x2B40];
	[tilespmem:s6+$0xAB50] =	vst v19;
	v9 =	vadd.f32 v9, v11;
	v6 =	vmul.f32 v6, v24  }
0xe6: {  	v10 =	vld [tilespmem:s12+$0x29E0];
	v1 =	vadd.f32 v5, v1;
	v5 =	vmul.f32 v14, v14;
	[tilespmem:s6+$0xAB60] =	vst v8;
	v8 =	vadd.f32 v2, v7  }
0xe7: {  	v2 =	vmov v15;
	v11 =	vld [tilespmem:s12+$0x2A60];
	[tilespmem:s6+$0xAB70] =	vst v24;
	s6 =	smov.u32 s12  }
0xe8: {  	v6 =	vadd.f32 v6, v9;
	v7 =	vld [tilespmem:s6+$0x2B30];
	v1 =	vadd.f32 v5, v1;
	v5 =	vmul.f32 v8, v8  }
0xe9: {  	v15 =	vld [tilespmem:s6+$0x29D0]  }
0xea: {  	v8 =	vmul.f32 v6, v6;
	v14 =	vld [tilespmem:s6+$0x2A50];
	v1 =	vadd.f32 v5, v1  }
0xeb: {  	v5 =	vld [tilespmem:s6+$0x2B20]  }
0xec: {  	v6 =	vld [tilespmem:s6+$0x2AB0];
	v1 =	vadd.f32 v8, v1  }
0xed: {  	v21 =	vld [tilespmem:s6+$0x29C0]  }
0xee: {  	v17 =	vld [tilespmem:s6+$0x2A40]  }
0xef: {  	v8 =	vld [tilespmem:s6+$0x2B10]  }
0xf0: {  	v9 =	vld [tilespmem:s6+$0x2AA0]  }
0xf1: {  	v24 =	vld [tilespmem:s6+$0x29B0]  }
0xf2: {  	v22 =	vld [tilespmem:s6+$0x2A30]  }
0xf3: {  	v18 =	vld [tilespmem:s6+$0x2B00]  }
0xf4: {  	v19 =	vld [tilespmem:s6+$0x2A90]  }
0xf5: {  	v25 =	vld [tilespmem:s6+$0x29A0]  }
0xf6: {  	v16 =	vld [tilespmem:s6+$0x2A20]  }
0xf7: {  	s12 =	sshll.u32 s7, $0x2;
	v20 =	vld [tilespmem:s6+$0x2A80]  }
0xf8: {  	s11 =	sshll.u32 s11, $0xA;
	s12 =	sand.u32 $0x3FFFFF80, s12;
	v26 =	vld [tilespmem:s6+$0x2990]  }
0xf9: {  	s11 =	sadd.s32 s12, s11;
	v23 =	vld [tilespmem:s6+$0x2A10]  }
0xfa: {  	v27 =	vld [tilespmem:s11+$0x9F0]  }
0xfb: {  	v28 =	vld [tilespmem:s11+$0x980]  }
0xfc: {  	v29 =	vld [tilespmem:s11+$0x9E0]  }
0xfd: {  	v30 =	vld [tilespmem:s11+$0x990]  }
0xfe: {  	v31 =	vld [tilespmem:s11+$0x9D0]  }
0xff: {  	v32 =	vld [tilespmem:s11+$0x9A0];
	v27 =	vshll.u32 v27, $0x2  }
0x100: {  	v28 =	vshll.u32 v28, $0x2;
	v33 =	vld [tilespmem:s11+$0x9B0]  }
0x101: {  	v34 =	vld [tilespmem:s11+$0x9C0];
	v29 =	vshll.u32 v29, $0x2  }
0x102: {  	v35 =	vld [tilespmem:s6+$0x2980];
	v30 =	vshll.u32 v30, $0x2  }
0x103: {  	v36 =	vld [tilespmem:s6+$0x2A00];
	v31 =	vshll.u32 v31, $0x2  }
0x104: {  	v32 =	vshll.u32 v32, $0x2;
	v37 =	vld.idx.msk [tilespmem:v27+s5+$0x0], $0xffff  }
0x105: {  	v38 =	vld.idx.msk [tilespmem:v28+s5+$0x0], $0xffff;
	v33 =	vshll.u32 v33, $0x2  }
0x106: {  	v34 =	vshll.u32 v34, $0x2;
	v39 =	vld.idx.msk [tilespmem:v29+s5+$0x0], $0xffff  }
0x107: {  	v40 =	vor.u32 $0x1, v28;
	v41 =	vld.idx.msk [tilespmem:v30+s5+$0x0], $0xffff  }
0x108: {  	v43 =	vor.u32 $0x1, v27;
	v42 =	vld.idx.msk [tilespmem:v31+s5+$0x0], $0xffff  }
0x109: {  	v44 =	vor.u32 $0x1, v30;
	v45 =	vld.idx.msk [tilespmem:v32+s5+$0x0], $0xffff  }
0x10a: {  	v47 =	vor.u32 $0x1, v29;
	v46 =	vld.idx.msk [tilespmem:v33+s5+$0x0], $0xffff  }
0x10b: {  	v48 =	vor.u32 $0x1, v32;
	[tilespmem:s6+$0xA980] =	vst v38;
	v49 =	vld.idx.msk [tilespmem:v34+s5+$0x0], $0xffff  }
0x10c: {  	v50 =	vor.u32 $0x1, v33;
	v40 =	vld.idx.msk [tilespmem:v40+s5+$0x0], $0xffff;
	[tilespmem:s6+$0xA9F0] =	vst v37  }
0x10d: {  	v51 =	vor.u32 $0x1, v34;
	[tilespmem:s6+$0xA990] =	vst v41;
	v43 =	vld.idx.msk [tilespmem:v43+s5+$0x0], $0xffff  }
0x10e: {  	v52 =	vor.u32 $0x2, v28;
	v44 =	vld.idx.msk [tilespmem:v44+s5+$0x0], $0xffff;
	[tilespmem:s6+$0xA9E0] =	vst v39  }
0x10f: {  	v53 =	vor.u32 $0x1, v31;
	[tilespmem:s6+$0xA9A0] =	vst v45;
	v47 =	vld.idx.msk [tilespmem:v47+s5+$0x0], $0xffff  }
0x110: {  	v54 =	vor.u32 $0x2, v30;
	v48 =	vld.idx.msk [tilespmem:v48+s5+$0x0], $0xffff;
	[tilespmem:s6+$0xA9B0] =	vst v46  }
0x111: {  	v55 =	vor.u32 $0x2, v27;
	v50 =	vld.idx.msk [tilespmem:v50+s5+$0x0], $0xffff;
	[tilespmem:s6+$0xA9C0] =	vst v49  }
0x112: {  	v56 =	vor.u32 $0x2, v32;
	[tilespmem:s6+$0xAA00] =	vst v40;
	v51 =	vld.idx.msk [tilespmem:v51+s5+$0x0], $0xffff  }
0x113: {  	v57 =	vor.u32 $0x2, v33;
	v52 =	vld.idx.msk [tilespmem:v52+s5+$0x0], $0xffff;
	[tilespmem:s6+$0xA9D0] =	vst v42  }
0x114: {  	v58 =	vor.u32 $0x2, v34;
	[tilespmem:s6+$0xAA10] =	vst v44;
	v53 =	vld.idx.msk [tilespmem:v53+s5+$0x0], $0xffff  }
0x115: {  	v28 =	vor.u32 $0x3, v28;
	v37 =	vmul.f32 v13, v37;
	v54 =	vld.idx.msk [tilespmem:v54+s5+$0x0], $0xffff;
	[tilespmem:s6+$0xAA70] =	vst v43  }
0x116: {  	v13 =	vor.u32 $0x2, v31;
	v39 =	vmul.f32 v10, v39;
	v42 =	vmul.f32 v15, v42;
	[tilespmem:s6+$0xAA20] =	vst v48;
	v10 =	vld.idx.msk [tilespmem:v55+s5+$0x0], $0xffff  }
0x117: {  	v30 =	vor.u32 $0x3, v30;
	v46 =	vmul.f32 v24, v46;
	v49 =	vmul.f32 v21, v49;
	v55 =	vld.idx.msk [tilespmem:v56+s5+$0x0], $0xffff;
	[tilespmem:s6+$0xAA30] =	vst v50  }
0x118: {  	v26 =	vmul.f32 v26, v41;
	v41 =	vmul.f32 v25, v45;
	v25 =	vor.u32 $0x2, v29;
	v45 =	vld.idx.msk [tilespmem:v57+s5+$0x0], $0xffff;
	[tilespmem:s6+$0xAA40] =	vst v51  }
0x119: {  	v32 =	vor.u32 $0x3, v32;
	v35 =	vmul.f32 v35, v38;
	v38 =	vmul.f32 v12, v43;
	[tilespmem:s6+$0xAA80] =	vst v52;
	v15 =	vld.idx.msk [tilespmem:v58+s5+$0x0], $0xffff  }
0x11a: {  	v11 =	vmul.f32 v11, v47;
	v21 =	vld.idx.msk [tilespmem:v28+s5+$0x0], $0xffff;
	v28 =	vor.u32 $0x3, v33;
	[tilespmem:s6+$0xAA50] =	vst v53;
	v33 =	vmul.f32 v14, v53  }
0x11b: {  	v24 =	vor.u32 $0x3, v27;
	v50 =	vmul.f32 v22, v50;
	v43 =	vmul.f32 v17, v51;
	[tilespmem:s6+$0xAA90] =	vst v54;
	v14 =	vld.idx.msk [tilespmem:v13+s5+$0x0], $0xffff  }
0x11c: {  	v27 =	vmul.f32 v23, v44;
	v17 =	vmul.f32 v36, v40;
	v22 =	vld.idx.msk [tilespmem:v30+s5+$0x0], $0xffff;
	v30 =	vor.u32 $0x3, v34;
	[tilespmem:s6+$0xAA60] =	vst v47  }
0x11d: {  	v12 =	vadd.f32 v11, v39;
	v11 =	vadd.f32 v38, v37;
	[tilespmem:s6+$0xAAA0] =	vst v55;
	v13 =	vld.idx.msk [tilespmem:v25+s5+$0x0], $0xffff;
	v25 =	vor.u32 $0x3, v29  }
0x11e: {  	v20 =	vmul.f32 v20, v52;
	v29 =	vadd.f32 v17, v35;
	v23 =	vld.idx.msk [tilespmem:v32+s5+$0x0], $0xffff;
	[tilespmem:s6+$0xAAB0] =	vst v45;
	v32 =	vor.u32 $0x3, v31  }
0x11f: {  	v26 =	vadd.f32 v27, v26;
	v27 =	vmul.f32 v16, v48;
	v16 =	vadd.f32 v33, v42;
	v17 =	vld.idx.msk [tilespmem:v28+s5+$0x0], $0xffff  }
.Ltmp1:
0x120: {  	v19 =	vmul.f32 v19, v54;
	v29 =	vadd.f32 v20, v29;
	v18 =	vmul.f32 v18, v21;
	v31 =	vld [tilespmem:s6+$0x2AC0];
	[tilespmem:s6+$0xAAC0] =	vst v15;
	(pc) =	sbr.rel @p1 .LBB2_5-.Ltmp1, $4  }
0x121: {  	v33 =	vadd.f32 v27, v41;
	v9 =	vmul.f32 v9, v55;
	v28 =	vadd.f32 v43, v49;
	v20 =	vld.idx.msk [tilespmem:v30+s5+$0x0], $0xffff  }
0x122: {  	v26 =	vadd.f32 v19, v26;
	v18 =	vadd.f32 v18, v29;
	v8 =	vmul.f32 v8, v22;
	v27 =	vld [tilespmem:s6+$0x2AD0];
	[tilespmem:s6+$0xAAD0] =	vst v14  }
0x123: {  	v35 =	vadd.f32 v50, v46;
	v47 =	vmul.f32 v6, v45;
	v43 =	vadd.f32 v9, v33;
	v19 =	vld.idx.msk [tilespmem:v32+s5+$0x0], $0xffff  }
0x124: {  	v45 =	vmul.f32 v18, v18;
	v44 =	vadd.f32 v8, v26;
	v46 =	vmul.f32 v5, v23;
	v26 =	vld [tilespmem:s6+$0x2AE0];
	[tilespmem:s6+$0xAAE0] =	vst v13  }
0x125: {  	_ =	sdelay $0x1  }
0x126: {  	[tilespmem:s6+$0xAAF0] =	vst v10  }
0x127: {  	[tilespmem:s6+$0xAB00] =	vst v21  }
0x128: {  	v42 =	vld.idx.msk [tilespmem:v25+s5+$0x0], $0xffff;
	[tilespmem:s6+$0xAB10] =	vst v22  }
0x129: {  	[tilespmem:s6+$0xAB20] =	vst v23;
	v38 =	vld.idx.msk [tilespmem:v24+s5+$0x0], $0xffff  }
0x12a: {  	[tilespmem:s6+$0xAB30] =	vst v17  }
0x12b: {  	s7 =	sshll.u32 s0, $0x14;
	[tilespmem:s6+$0xAB40] =	vst v20  }
0x12c: {  	s11 =	sadd.s32 $0x10, s29;
	s7 =	sor.u32 s10, s7;
	[tilespmem:s6+$0xAB50] =	vst v19  }
0x12d: {  	v48 =	vld [tilespmem:s6+$0x2AF0];
	s12 =	sshll.u32 s11, $0xE;
	s7 =	sshrl.u32 s7, $0x3;
	[tilespmem:s6+$0xAB60] =	vst v42  }
0x12e: {  	v41 =	vld [tilespmem:s6+$0x2B70];
	s9 =	sadd.s32 s3, s7;
	s7 =	sor.u32 s8, s12;
	[tilespmem:s6+$0xAB70] =	vst v38;
	s6 =	sshll.u32 s11, $0x10  }
0x12f: {  	[hbm4b:s9+s16] =	stream.strided.scatter [tilespmem:s23], [sflag:$0x3], $0x4000, s18, s16, $0x38;
	[tilespmem:$0x12A00] =	vst v63  }
0x130: {  	s7 =	sshrl.u32 s7, $0x3;
	s6 =	sor.u32 s10, s6  }
0x131: {  	s7 =	sadd.s32 s1, s7;
	s6 =	sshrl.u32 s6, $0x3  }
0x132: {  	[tilespmem:s17], [sflag:$0x1] =	stream.linear.gather [hbm4b:s7+s5], $0x1000, $0x38;
	[tilespmem:$0x12A00] =	vst v63  }
0x133: {  	s6 =	sadd.s32 s2, s6  }
0x134: {  	[tilespmem:s19], [sflag:$0x1] =	stream.strided.gather [hbm4b:s6+s16], $0x4000, s18, s16, $0x38;
	[tilespmem:$0x12A00] =	vst v63  }
0x135: {  	_ =	swait.ge [sflag:s24], $0x1000  }
0x136: {  	[sflag:s24] =	ssyncset.done $0x0  }
0x137: {  	[sflag:s24] =	ssyncadd.s32 $0xFFFFF000  }
0x138: {  	_ =	swait.ge [sflag:s24], $0x4000  }
0x139: {  	[sflag:s24] =	ssyncset.done $0x0  }
0x13a: {  	s7 =	simm.s32 @!p0 $0x4;
	s6 =	simm.s32 $0x0;
	[sflag:s24] =	ssyncadd.s32 $0xFFFFC000  }
0x13b: {  	s11 =	simm.s32 $0x0;
	s9 =	sand.u32 $0x3, s6;
	_ =	swait.ge @!p0 [sflag:s7], $0x4000  }
0x13c: {  	s11 =	sand.u32 $0xFFFFF800, s11;
	s12 =	sshll.u32 s9, $0x9;
	[sflag:s7] =	ssyncset.done @!p0 $0x0  }
0x13d: {  	s29 =	sor.u32 s11, s12;
	[sflag:s7] =	ssyncadd.s32 @!p0 $0xFFFFC000  }
0x13e: {  	v6 =	vld [tilespmem:s29+$0x6B60]  }
0x13f: {  	v5 =	vld [tilespmem:s29+$0x6B50]  }
0x140: {  	v49 =	vld [tilespmem:s29+$0x69F0]  }
0x141: {  	v32 =	vld [tilespmem:s29+$0x6A70]  }
0x142: {  	v8 =	vld [tilespmem:s29+$0x6B40]  }
0x143: {  	v50 =	vld [tilespmem:s29+$0x69E0]  }
0x144: {  	v30 =	vld [tilespmem:s29+$0x6A60]  }
0x145: {  	v9 =	vld [tilespmem:s29+$0x6B30]  }
0x146: {  	v51 =	vld [tilespmem:s29+$0x69D0]  }
0x147: {  	v36 =	vld [tilespmem:s29+$0x6A50]  }
0x148: {  	v18 =	vld [tilespmem:s29+$0x6B20]  }
0x149: {  	v21 =	vld [tilespmem:s29+$0x6AB0]  }
0x14a: {  	v52 =	vld [tilespmem:s29+$0x69C0]  }
0x14b: {  	v33 =	vld [tilespmem:s29+$0x6A40]  }
0x14c: {  	v22 =	vld [tilespmem:s29+$0x6B10]  }
0x14d: {  	v23 =	vld [tilespmem:s29+$0x6AA0]  }
0x14e: {  	v53 =	vld [tilespmem:s29+$0x69B0]  }
0x14f: {  	v39 =	vld [tilespmem:s29+$0x6A30]  }
0x150: {  	v24 =	vld [tilespmem:s29+$0x6B00]  }
0x151: {  	v25 =	vld [tilespmem:s29+$0x6A90]  }
0x152: {  	v54 =	vld [tilespmem:s29+$0x69A0]  }
0x153: {  	s13 =	simm.s32 $0x0;
	v29 =	vld [tilespmem:s29+$0x6A20]  }
0x154: {  	s9 =	sshll.u32 s9, $0xA;
	s7 =	sand.u32 $0x3FFFFF80, s13;
	v34 =	vld [tilespmem:s29+$0x6A80]  }
0x155: {  	v55 =	vld [tilespmem:s29+$0x6990];
	s7 =	sadd.s32 s7, s9  }
0x156: {  	v37 =	vld [tilespmem:s7+$0x19F0]  }
0x157: {  	v56 =	vld [tilespmem:s7+$0x1980]  }
0x158: {  	v57 =	vld [tilespmem:s7+$0x19E0]  }
0x159: {  	v58 =	vld [tilespmem:s7+$0x1990]  }
0x15a: {  	v59 =	vld [tilespmem:s7+$0x19D0]  }
0x15b: {  	v60 =	vld [tilespmem:s7+$0x19A0];
	v37 =	vshll.u32 v37, $0x2  }
0x15c: {  	v61 =	vld [tilespmem:s7+$0x19B0];
	v56 =	vshll.u32 v56, $0x2  }
0x15d: {  	v47 =	vadd.f32 v47, v35;
	v7 =	vmul.f32 v7, v17;
	v62 =	vld [tilespmem:s7+$0x19C0];
	v35 =	vshll.u32 v57, $0x2  }
0x15e: {  	v15 =	vmul.f32 v31, v15;
	v1 =	vadd.f32 v45, v1;
	v40 =	vld [tilespmem:s29+$0x6A10];
	v31 =	vshll.u32 v58, $0x2  }
0x15f: {  	v43 =	vadd.f32 v46, v43;
	v44 =	vmul.f32 v44, v44;
	v17 =	vld [tilespmem:s29+$0x6980];
	v46 =	vshll.u32 v59, $0x2  }
0x160: {  	v4 =	vmul.f32 v4, v20;
	v15 =	vadd.f32 v15, v28;
	v28 =	vshll.u32 v60, $0x2;
	v57 =	vld.idx.msk [tilespmem:v37+s5+$0x0], $0xffff  }
0x161: {  	v14 =	vmul.f32 v27, v14;
	v7 =	vadd.f32 v7, v47;
	v58 =	vshll.u32 v61, $0x2;
	v20 =	vld.idx.msk [tilespmem:v56+s5+$0x0], $0xffff  }
0x162: {  	v1 =	vadd.f32 v44, v1;
	v27 =	vmul.f32 v43, v43;
	v43 =	vshll.u32 v62, $0x2;
	v44 =	vld.idx.msk [tilespmem:v35+s5+$0x0], $0xffff  }
0x163: {  	v3 =	vmul.f32 v3, v19;
	v14 =	vadd.f32 v14, v16;
	v16 =	vor.u32 $0x1, v56;
	v47 =	vld.idx.msk [tilespmem:v31+s5+$0x0], $0xffff  }
0x164: {  	v13 =	vmul.f32 v26, v13;
	v7 =	vmul.f32 v7, v7;
	v26 =	vor.u32 $0x1, v37;
	v19 =	vld.idx.msk [tilespmem:v46+s5+$0x0], $0xffff  }
0x165: {  	v4 =	vadd.f32 v4, v15;
	v1 =	vadd.f32 v27, v1;
	v27 =	vor.u32 $0x1, v31;
	v59 =	vld.idx.msk [tilespmem:v28+s5+$0x0], $0xffff  }
0x166: {  	v10 =	vmul.f32 v48, v10;
	v12 =	vadd.f32 v13, v12;
	v15 =	vor.u32 $0x1, v35;
	v13 =	vld.idx.msk [tilespmem:v58+s5+$0x0], $0xffff  }
0x167: {  	v1 =	vadd.f32 v7, v1;
	v7 =	vor.u32 $0x1, v28;
	v63 =	vld.idx.msk [tilespmem:v43+s5+$0x0], $0xffff;
	[tilespmem:s29+$0xE980] =	vst v20  }
0x168: {  	v3 =	vadd.f32 v3, v14;
	v10 =	vadd.f32 v10, v11;
	v11 =	vor.u32 $0x1, v43;
	[tilespmem:s29+$0xE9F0] =	vst v57;
	v14 =	vld.idx.msk [tilespmem:v16+s5+$0x0], $0xffff  }
0x169: {  	v2 =	vmul.f32 v2, v42;
	v4 =	vmul.f32 v4, v4;
	[tilespmem:s29+$0xE990] =	vst v47;
	v16 =	vor.u32 $0x1, v58;
	v26 =	vld.idx.msk [tilespmem:v26+s5+$0x0], $0xffff  }
0x16a: {  	v3 =	vmul.f32 v3, v3;
	[tilespmem:s29+$0xE9E0] =	vst v44;
	v60 =	vld.idx.msk [tilespmem:v27+s5+$0x0], $0xffff  }
0x16b: {  	v2 =	vadd.f32 v2, v12;
	v1 =	vadd.f32 v4, v1;
	v12 =	vor.u32 $0x1, v46;
	[tilespmem:s29+$0xE9A0] =	vst v59;
	v61 =	vld.idx.msk [tilespmem:v15+s5+$0x0], $0xffff  }
0x16c: {  	v4 =	vor.u32 $0x2, v56;
	[tilespmem:s29+$0xE9C0] =	vst v63;
	v27 =	vmul.f32 v41, v38;
	v7 =	vld.idx.msk [tilespmem:v7+s5+$0x0], $0xffff  }
0x16d: {  	v1 =	vadd.f32 v3, v1;
	v3 =	vor.u32 $0x2, v31;
	[tilespmem:s29+$0xE9B0] =	vst v13;
	v62 =	vld.idx.msk [tilespmem:v11+s5+$0x0], $0xffff  }
0x16e: {  	v2 =	vmul.f32 v2, v2;
	[tilespmem:s29+$0xE9D0] =	vst v19;
	v10 =	vadd.f32 v27, v10;
	v15 =	vld.idx.msk [tilespmem:v16+s5+$0x0], $0xffff;
	v16 =	vor.u32 $0x2, v37  }
0x16f: {  	v45 =	vld [tilespmem:s29+$0x6A00];
	v27 =	vor.u32 $0x2, v28;
	[tilespmem:s29+$0xEA00] =	vst v14  }
0x170: {  	v1 =	vadd.f32 v2, v1;
	v12 =	vld.idx.msk [tilespmem:v12+s5+$0x0], $0xffff;
	v2 =	vmul.f32 v10, v10;
	v10 =	vor.u32 $0x2, v58;
	[tilespmem:s29+$0xEA10] =	vst v60  }
0x171: {  	v51 =	vmul.f32 v51, v19;
	v19 =	vor.u32 $0x2, v46;
	[tilespmem:s29+$0xEA70] =	vst v26;
	v4 =	vld.idx.msk [tilespmem:v4+s5+$0x0], $0xffff  }
0x172: {  	v49 =	vmul.f32 v49, v57;
	v47 =	vmul.f32 v55, v47;
	v11 =	vor.u32 $0x2, v43;
	[tilespmem:s29+$0xEA20] =	vst v7;
	v3 =	vld.idx.msk [tilespmem:v3+s5+$0x0], $0xffff  }
0x173: {  	v56 =	vor.u32 $0x3, v56;
	v57 =	vmul.f32 v17, v20;
	[tilespmem:s29+$0xEA40] =	vst v62;
	v1 =	vadd.f32 v2, v1;
	v2 =	vld.idx.msk [tilespmem:v16+s5+$0x0], $0xffff  }
0x174: {  	v31 =	vor.u32 $0x3, v31;
	v32 =	vmul.f32 v32, v26;
	v16 =	vmul.f32 v50, v44;
	v44 =	vld.idx.msk [tilespmem:v27+s5+$0x0], $0xffff;
	[tilespmem:s29+$0xEA30] =	vst v15  }
0x175: {  	[tilespmem:s29+$0xEA50] =	vst v12;
	v36 =	vmul.f32 v36, v12;
	v12 =	vmul.f32 v30, v61;
	v48 =	vld.idx.msk [tilespmem:v10+s5+$0x0], $0xffff;
	v10 =	vor.u32 $0x2, v35  }
0x176: {  	v28 =	vor.u32 $0x3, v28;
	v33 =	vmul.f32 v33, v62;
	v14 =	vmul.f32 v45, v14;
	[tilespmem:s29+$0xEA60] =	vst v61;
	v26 =	vld.idx.msk [tilespmem:v19+s5+$0x0], $0xffff  }
0x177: {  	v61 =	vor.u32 $0x3, v46;
	v7 =	vmul.f32 v29, v7;
	v50 =	vmul.f32 v53, v13;
	v27 =	vld.idx.msk [tilespmem:v11+s5+$0x0], $0xffff;
	[tilespmem:s29+$0xEA80] =	vst v4  }
0x178: {  	v13 =	vmul.f32 v52, v63;
	v63 =	vmul.f32 v54, v59;
	v59 =	vor.u32 $0x3, v58;
	[tilespmem:s29+$0xEA90] =	vst v3;
	v11 =	vld.idx.msk [tilespmem:v56+s5+$0x0], $0xffff  }
0x179: {  	v29 =	vadd.f32 v36, v51;
	v30 =	vmul.f32 v39, v15;
	v4 =	vmul.f32 v34, v4;
	v15 =	vld.idx.msk [tilespmem:v31+s5+$0x0], $0xffff  }
0x17a: {  	v31 =	vmul.f32 v40, v60;
	v60 =	vor.u32 $0x3, v43;
	v17 =	vadd.f32 v12, v16;
	[tilespmem:s29+$0xEAA0] =	vst v44;
	v20 =	vld.idx.msk [tilespmem:v10+s5+$0x0], $0xffff  }
0x17b: {  	v3 =	vmul.f32 v25, v3;
	v12 =	vadd.f32 v32, v49;
	v10 =	vadd.f32 v14, v57;
	v19 =	vld.idx.msk [tilespmem:v28+s5+$0x0], $0xffff  }
0x17c: {  	v25 =	vadd.f32 v7, v63;
	v31 =	vadd.f32 v31, v47;
	v23 =	vmul.f32 v23, v44;
	[tilespmem:s29+$0xEAB0] =	vst v48;
	v14 =	vld [tilespmem:s29+$0x6AC0]  }
0x17d: {  	v16 =	vld.idx.msk [tilespmem:v59+s5+$0x0], $0xffff;
	v62 =	vmul.f32 v24, v11;
	v24 =	vor.u32 $0x3, v35;
	v4 =	vadd.f32 v4, v10  }
0x17e: {  	v7 =	vld [tilespmem:s29+$0x6AD0];
	v13 =	vadd.f32 v33, v13;
	[tilespmem:s29+$0xEAC0] =	vst v27;
	v31 =	vadd.f32 v3, v31;
	v63 =	vmul.f32 v22, v15  }
0x17f: {  	v28 =	vor.u32 $0x3, v37;
	v22 =	vadd.f32 v23, v25;
	v10 =	vld.idx.msk [tilespmem:v60+s5+$0x0], $0xffff;
	v32 =	vadd.f32 v62, v4  }
0x180: {  	[tilespmem:s29+$0xEAD0] =	vst v26;
	v3 =	vld [tilespmem:s29+$0x6AE0];
	v25 =	vadd.f32 v30, v50;
	v30 =	vmul.f32 v21, v48;
	v23 =	vadd.f32 v63, v31  }
0x181: {  	s7 =	simm.s32 $0x0;
	v4 =	vld.idx.msk [tilespmem:v61+s5+$0x0], $0xffff;
	v18 =	vmul.f32 v18, v19;
	[tilespmem:s29+$0xEAE0] =	vst v20;
	v21 =	vmul.f32 v32, v32  }
.LBB2_7:
0x182: {  	s7 =	sadd.s32 $0x8, s7;
	v25 =	vadd.f32 v30, v25;
	v9 =	vmul.f32 v9, v16;
	v14 =	vmul.f32 v14, v27;
	v24 =	vld.idx.msk [tilespmem:v24+s5+$0x0], $0xffff;
	s6 =	sadd.s32 $0x1, s6  }
0x183: {  	s9 =	sand.u32 $0x3, s6;
	s11 =	sshll.u32 s7, $0x6;
	p0 =	slt.u32 s7, $0xF8;
	v1 =	vadd.f32 v21, v1;
	v21 =	vmul.f32 v23, v23;
	v18 =	vadd.f32 v18, v22;
	v22 =	vld [tilespmem:s29+$0x6AF0];
	[tilespmem:s29+$0xEAF0] =	vst v2  }
0x184: {  	v8 =	vmul.f32 v8, v10;
	s11 =	sand.u32 $0xFFFFF800, s11;
	s12 =	sshll.u32 s9, $0x9;
	v13 =	vadd.f32 v14, v13;
	v7 =	vmul.f32 v7, v26;
	v14 =	vld.idx.msk [tilespmem:v28+s5+$0x0], $0xffff  }
0x185: {  	v9 =	vadd.f32 v9, v25;
	s11 =	sor.u32 s11, s12;
	[tilespmem:s29+$0xEB00] =	vst v11;
	v1 =	vadd.f32 v21, v1;
	v11 =	vmul.f32 v18, v18;
	v18 =	vld [tilespmem:s29+$0x6B70]  }
0x186: {  	v23 =	vmul.f32 v5, v4;
	v21 =	vld [tilespmem:s11+$0x6B60];
	[tilespmem:s29+$0xEB10] =	vst v15;
	v7 =	vadd.f32 v7, v29;
	v3 =	vmul.f32 v3, v20  }
0x187: {  	v9 =	vmul.f32 v9, v9;
	v8 =	vadd.f32 v8, v13;
	v5 =	vld [tilespmem:s11+$0x6B50];
	[tilespmem:s29+$0xEB20] =	vst v19;
	v1 =	vadd.f32 v11, v1  }
0x188: {  	v6 =	vmul.f32 v6, v24;
	v15 =	vld [tilespmem:s11+$0x69F0];
	[tilespmem:s29+$0xEB30] =	vst v16;
	v3 =	vadd.f32 v3, v17;
	v2 =	vmul.f32 v22, v2  }
0x189: {  	v7 =	vadd.f32 v23, v7;
	v11 =	vld [tilespmem:s11+$0x6A70];
	v1 =	vadd.f32 v9, v1;
	[tilespmem:s29+$0xEB40] =	vst v10;
	v9 =	vmul.f32 v8, v8  }
0x18a: {  	v8 =	vld [tilespmem:s11+$0x6B40];
	[tilespmem:s29+$0xEB50] =	vst v4;
	v4 =	vadd.f32 v2, v12;
	v10 =	vmul.f32 v18, v14  }
0x18b: {  	v7 =	vmul.f32 v7, v7;
	v3 =	vadd.f32 v6, v3;
	v2 =	vld [tilespmem:s11+$0x69E0];
	v1 =	vadd.f32 v9, v1;
	[tilespmem:s29+$0xEB60] =	vst v24  }
0x18c: {  	v6 =	vmov v21;
	v12 =	vld [tilespmem:s11+$0x6A60];
	[tilespmem:s29+$0xEB70] =	vst v14;
	s29 =	smov.u32 s11  }
0x18d: {  	v3 =	vmul.f32 v3, v3;
	v4 =	vadd.f32 v10, v4;
	v9 =	vld [tilespmem:s29+$0x6B30];
	v1 =	vadd.f32 v7, v1  }
0x18e: {  	v21 =	vld [tilespmem:s29+$0x69D0]  }
0x18f: {  	v7 =	vmul.f32 v4, v4;
	v17 =	vld [tilespmem:s29+$0x6A50];
	v1 =	vadd.f32 v3, v1  }
0x190: {  	v3 =	vld [tilespmem:s29+$0x6B20]  }
0x191: {  	v4 =	vld [tilespmem:s29+$0x6AB0];
	v1 =	vadd.f32 v7, v1  }
0x192: {  	v22 =	vld [tilespmem:s29+$0x69C0]  }
0x193: {  	v18 =	vld [tilespmem:s29+$0x6A40]  }
0x194: {  	v7 =	vld [tilespmem:s29+$0x6B10]  }
0x195: {  	v10 =	vld [tilespmem:s29+$0x6AA0]  }
0x196: {  	v24 =	vld [tilespmem:s29+$0x69B0]  }
0x197: {  	v20 =	vld [tilespmem:s29+$0x6A30]  }
0x198: {  	v13 =	vld [tilespmem:s29+$0x6B00]  }
0x199: {  	v14 =	vld [tilespmem:s29+$0x6A90]  }
0x19a: {  	v25 =	vld [tilespmem:s29+$0x69A0]  }
0x19b: {  	v16 =	vld [tilespmem:s29+$0x6A20]  }
0x19c: {  	s11 =	sshll.u32 s7, $0x2;
	v19 =	vld [tilespmem:s29+$0x6A80]  }
0x19d: {  	s9 =	sshll.u32 s9, $0xA;
	s11 =	sand.u32 $0x3FFFFF80, s11;
	v26 =	vld [tilespmem:s29+$0x6990]  }
0x19e: {  	s9 =	sadd.s32 s11, s9;
	v23 =	vld [tilespmem:s29+$0x6A10]  }
0x19f: {  	v27 =	vld [tilespmem:s9+$0x19F0]  }
0x1a0: {  	v28 =	vld [tilespmem:s9+$0x1980]  }
0x1a1: {  	v29 =	vld [tilespmem:s9+$0x19E0]  }
0x1a2: {  	v30 =	vld [tilespmem:s9+$0x1990]  }
0x1a3: {  	v31 =	vld [tilespmem:s9+$0x19D0]  }
0x1a4: {  	v32 =	vld [tilespmem:s9+$0x19A0];
	v33 =	vshll.u32 v27, $0x2  }
0x1a5: {  	v27 =	vshll.u32 v28, $0x2;
	v28 =	vld [tilespmem:s9+$0x19B0]  }
0x1a6: {  	v34 =	vld [tilespmem:s9+$0x19C0];
	v29 =	vshll.u32 v29, $0x2  }
0x1a7: {  	v35 =	vld [tilespmem:s29+$0x6980];
	v30 =	vshll.u32 v30, $0x2  }
0x1a8: {  	v36 =	vld [tilespmem:s29+$0x6A00];
	v31 =	vshll.u32 v31, $0x2  }
0x1a9: {  	v32 =	vshll.u32 v32, $0x2;
	v37 =	vld.idx.msk [tilespmem:v33+s5+$0x0], $0xffff  }
0x1aa: {  	v38 =	vld.idx.msk [tilespmem:v27+s5+$0x0], $0xffff;
	v28 =	vshll.u32 v28, $0x2  }
0x1ab: {  	v34 =	vshll.u32 v34, $0x2;
	v39 =	vld.idx.msk [tilespmem:v29+s5+$0x0], $0xffff  }
0x1ac: {  	v40 =	vor.u32 $0x1, v27;
	v41 =	vld.idx.msk [tilespmem:v30+s5+$0x0], $0xffff  }
0x1ad: {  	v43 =	vor.u32 $0x1, v33;
	v42 =	vld.idx.msk [tilespmem:v31+s5+$0x0], $0xffff  }
0x1ae: {  	v44 =	vor.u32 $0x1, v30;
	v45 =	vld.idx.msk [tilespmem:v32+s5+$0x0], $0xffff  }
0x1af: {  	v47 =	vor.u32 $0x1, v29;
	v46 =	vld.idx.msk [tilespmem:v28+s5+$0x0], $0xffff  }
0x1b0: {  	v48 =	vor.u32 $0x1, v32;
	[tilespmem:s29+$0xE980] =	vst v38;
	v49 =	vld.idx.msk [tilespmem:v34+s5+$0x0], $0xffff  }
0x1b1: {  	v50 =	vor.u32 $0x1, v28;
	v40 =	vld.idx.msk [tilespmem:v40+s5+$0x0], $0xffff;
	[tilespmem:s29+$0xE9F0] =	vst v37  }
0x1b2: {  	v51 =	vor.u32 $0x1, v34;
	[tilespmem:s29+$0xE990] =	vst v41;
	v43 =	vld.idx.msk [tilespmem:v43+s5+$0x0], $0xffff  }
0x1b3: {  	v52 =	vor.u32 $0x2, v27;
	v44 =	vld.idx.msk [tilespmem:v44+s5+$0x0], $0xffff;
	[tilespmem:s29+$0xE9E0] =	vst v39  }
0x1b4: {  	v53 =	vor.u32 $0x1, v31;
	[tilespmem:s29+$0xE9A0] =	vst v45;
	v47 =	vld.idx.msk [tilespmem:v47+s5+$0x0], $0xffff  }
0x1b5: {  	v54 =	vor.u32 $0x2, v30;
	v48 =	vld.idx.msk [tilespmem:v48+s5+$0x0], $0xffff;
	[tilespmem:s29+$0xE9B0] =	vst v46  }
0x1b6: {  	v55 =	vor.u32 $0x2, v33;
	v50 =	vld.idx.msk [tilespmem:v50+s5+$0x0], $0xffff;
	[tilespmem:s29+$0xE9C0] =	vst v49  }
0x1b7: {  	v56 =	vor.u32 $0x2, v32;
	[tilespmem:s29+$0xEA00] =	vst v40;
	v51 =	vld.idx.msk [tilespmem:v51+s5+$0x0], $0xffff  }
0x1b8: {  	v57 =	vor.u32 $0x2, v28;
	v52 =	vld.idx.msk [tilespmem:v52+s5+$0x0], $0xffff;
	[tilespmem:s29+$0xE9D0] =	vst v42  }
0x1b9: {  	v58 =	vor.u32 $0x2, v34;
	[tilespmem:s29+$0xEA10] =	vst v44;
	v53 =	vld.idx.msk [tilespmem:v53+s5+$0x0], $0xffff  }
0x1ba: {  	v59 =	vor.u32 $0x3, v27;
	v37 =	vmul.f32 v15, v37;
	v54 =	vld.idx.msk [tilespmem:v54+s5+$0x0], $0xffff;
	[tilespmem:s29+$0xEA70] =	vst v43  }
0x1bb: {  	v15 =	vor.u32 $0x2, v31;
	v21 =	vmul.f32 v21, v42;
	v39 =	vmul.f32 v2, v39;
	[tilespmem:s29+$0xEA20] =	vst v48;
	v2 =	vld.idx.msk [tilespmem:v55+s5+$0x0], $0xffff  }
0x1bc: {  	v30 =	vor.u32 $0x3, v30;
	v46 =	vmul.f32 v24, v46;
	v22 =	vmul.f32 v22, v49;
	v42 =	vld.idx.msk [tilespmem:v56+s5+$0x0], $0xffff;
	[tilespmem:s29+$0xEA30] =	vst v50  }
0x1bd: {  	v41 =	vmul.f32 v26, v41;
	v25 =	vmul.f32 v25, v45;
	v24 =	vor.u32 $0x2, v29;
	v45 =	vld.idx.msk [tilespmem:v57+s5+$0x0], $0xffff;
	[tilespmem:s29+$0xEA40] =	vst v51  }
0x1be: {  	v32 =	vor.u32 $0x3, v32;
	v35 =	vmul.f32 v35, v38;
	v38 =	vmul.f32 v11, v43;
	[tilespmem:s29+$0xEA80] =	vst v52;
	v27 =	vld.idx.msk [tilespmem:v58+s5+$0x0], $0xffff  }
0x1bf: {  	v12 =	vmul.f32 v12, v47;
	v43 =	vor.u32 $0x3, v28;
	v49 =	vmul.f32 v17, v53;
	v11 =	vld.idx.msk [tilespmem:v59+s5+$0x0], $0xffff;
	[tilespmem:s29+$0xEA50] =	vst v53  }
0x1c0: {  	v28 =	vor.u32 $0x3, v33;
	v50 =	vmul.f32 v20, v50;
	v18 =	vmul.f32 v18, v51;
	[tilespmem:s29+$0xEA90] =	vst v54;
	v26 =	vld.idx.msk [tilespmem:v15+s5+$0x0], $0xffff  }
0x1c1: {  	v23 =	vmul.f32 v23, v44;
	v33 =	vmul.f32 v36, v40;
	v15 =	vld.idx.msk [tilespmem:v30+s5+$0x0], $0xffff;
	v30 =	vor.u32 $0x3, v34;
	[tilespmem:s29+$0xEA60] =	vst v47  }
0x1c2: {  	v17 =	vadd.f32 v12, v39;
	v12 =	vadd.f32 v38, v37;
	[tilespmem:s29+$0xEAA0] =	vst v42;
	v20 =	vld.idx.msk [tilespmem:v24+s5+$0x0], $0xffff;
	v24 =	vor.u32 $0x3, v29  }
0x1c3: {  	v31 =	vor.u32 $0x3, v31;
	v33 =	vadd.f32 v33, v35;
	v34 =	vmul.f32 v19, v52;
	v19 =	vld.idx.msk [tilespmem:v32+s5+$0x0], $0xffff;
	[tilespmem:s29+$0xEAB0] =	vst v45  }
0x1c4: {  	v23 =	vadd.f32 v23, v41;
	v29 =	vadd.f32 v49, v21;
	v32 =	vmul.f32 v16, v48;
	v16 =	vld.idx.msk [tilespmem:v43+s5+$0x0], $0xffff  }
.Ltmp2:
0x1c5: {  	v21 =	vadd.f32 v34, v33;
	v34 =	vmul.f32 v14, v54;
	v33 =	vmul.f32 v13, v11;
	v14 =	vld [tilespmem:s29+$0x6AC0];
	[tilespmem:s29+$0xEAC0] =	vst v27;
	(pc) =	sbr.rel @p0 .LBB2_7-.Ltmp2, $4  }
0x1c6: {  	v13 =	vadd.f32 v18, v22;
	v25 =	vadd.f32 v32, v25;
	v32 =	vmul.f32 v10, v42;
	v10 =	vld.idx.msk [tilespmem:v30+s5+$0x0], $0xffff  }
0x1c7: {  	v23 =	vadd.f32 v34, v23;
	v18 =	vadd.f32 v33, v21;
	v33 =	vmul.f32 v7, v15;
	v7 =	vld [tilespmem:s29+$0x6AD0];
	[tilespmem:s29+$0xEAD0] =	vst v26  }
0x1c8: {  	v30 =	vmul.f32 v4, v45;
	v22 =	vadd.f32 v32, v25;
	v25 =	vadd.f32 v50, v46;
	v4 =	vld.idx.msk [tilespmem:v31+s5+$0x0], $0xffff  }
0x1c9: {  	v21 =	vmul.f32 v18, v18;
	v23 =	vadd.f32 v33, v23;
	v18 =	vmul.f32 v3, v19;
	v3 =	vld [tilespmem:s29+$0x6AE0];
	[tilespmem:s29+$0xEAE0] =	vst v20  }
0x1ca: {  	_ =	sdelay $0x3  }
0x1cb: {  	v24 =	vld.idx.msk [tilespmem:v24+s5+$0x0], $0xffff;
	v25 =	vadd.f32 v30, v25;
	v9 =	vmul.f32 v9, v16;
	v14 =	vmul.f32 v14, v27  }
0x1cc: {  	v58 =	vld [tilespmem:s29+$0x6AF0];
	v1 =	vadd.f32 v21, v1;
	v59 =	vmul.f32 v23, v23;
	v18 =	vadd.f32 v18, v22  }
0x1cd: {  	[tilespmem:s29+$0xEAF0] =	vst v2;
	v61 =	vld [tilespmem:s29+$0x6B70];
	v8 =	vmul.f32 v8, v10;
	v13 =	vadd.f32 v14, v13;
	v7 =	vmul.f32 v7, v26  }
0x1ce: {  	v60 =	vld.idx.msk [tilespmem:v28+s5+$0x0], $0xffff;
	v9 =	vadd.f32 v9, v25;
	v1 =	vadd.f32 v59, v1;
	v18 =	vmul.f32 v18, v18  }
0x1cf: {  	v5 =	vmul.f32 v5, v4;
	v7 =	vadd.f32 v7, v29;
	v3 =	vmul.f32 v3, v20  }
0x1d0: {  	v9 =	vmul.f32 v9, v9;
	v8 =	vadd.f32 v8, v13;
	v1 =	vadd.f32 v18, v1  }
0x1d1: {  	v6 =	vmul.f32 v6, v24;
	v2 =	vmul.f32 v58, v2;
	v3 =	vadd.f32 v3, v17  }
0x1d2: {  	[tilespmem:s29+$0xEB00] =	vst v11;
	v8 =	vmul.f32 v8, v8;
	v5 =	vadd.f32 v5, v7;
	v1 =	vadd.f32 v9, v1  }
0x1d3: {  	[tilespmem:s29+$0xEB10] =	vst v15;
	v62 =	vmul.f32 v61, v60;
	v2 =	vadd.f32 v2, v12  }
0x1d4: {  	[tilespmem:s29+$0xEB20] =	vst v19;
	s0 =	sadd.s32 $0x1, s0;
	v63 =	vmul.f32 v5, v5;
	v3 =	vadd.f32 v6, v3;
	v1 =	vadd.f32 v8, v1  }
0x1d5: {  	[tilespmem:s29+$0xEB30] =	vst v16;
	p0 =	sne.s32 s0, $0xC  }
.Ltmp3:
0x1d6: {  	[tilespmem:s29+$0xEB40] =	vst v10;
	v2 =	vadd.f32 v62, v2;
	v3 =	vmul.f32 v3, v3;
	v1 =	vadd.f32 v63, v1;
	(pc) =	sbr.rel @p0 .LBB2_4-.Ltmp3, $4  }
0x1d7: {  	[tilespmem:s29+$0xEB50] =	vst v4  }
0x1d8: {  	[tilespmem:s29+$0xEB60] =	vst v24;
	v2 =	vmul.f32 v2, v2;
	v1 =	vadd.f32 v3, v1  }
0x1d9: {  	s4 =	sadd.s32 s3, s4;
	[tilespmem:s29+$0xEB70] =	vst v60  }
0x1da: {  	[hbm4b:s4+s16] =	stream.strided.scatter [tilespmem:s25], [sflag:$0x4], $0x4000, s18, s16, $0x38;
	v1 =	vadd.f32 v2, v1;
	[tilespmem:$0x12A00] =	vst v63  }
0x1db: {  	_ =	swait.ge [sflag:s22], $0x1000  }
0x1dc: {  	[sflag:s22] =	ssyncset.done $0x0  }
0x1dd: {  	[sflag:s22] =	ssyncadd.s32 $0xFFFFF000  }
0x1de: {  	_ =	swait.ge [sflag:s22], $0x4000  }
0x1df: {  	[sflag:s22] =	ssyncset.done $0x0  }
0x1e0: {  	s4 =	simm.s32 $0x0;
	[sflag:s22] =	ssyncadd.s32 $0xFFFFC000  }
0x1e1: {  	s0 =	simm.s32 $0x0;
	s6 =	sand.u32 $0x3, s4;
	_ =	swait.ge [sflag:s26], $0x4000  }
0x1e2: {  	s0 =	sand.u32 $0xFFFFF800, s0;
	s7 =	sshll.u32 s6, $0x9;
	[sflag:s26] =	ssyncset.done $0x0  }
0x1e3: {  	s0 =	sor.u32 s0, s7;
	[sflag:s26] =	ssyncadd.s32 $0xFFFFC000  }
0x1e4: {  	v3 =	vld [tilespmem:s0+$0x2B60]  }
0x1e5: {  	v2 =	vld [tilespmem:s0+$0x2B50]  }
0x1e6: {  	v6 =	vld [tilespmem:s0+$0x29F0]  }
0x1e7: {  	v11 =	vld [tilespmem:s0+$0x2A70]  }
0x1e8: {  	v4 =	vld [tilespmem:s0+$0x2B40]  }
0x1e9: {  	v12 =	vld [tilespmem:s0+$0x29E0]  }
0x1ea: {  	v13 =	vld [tilespmem:s0+$0x2A60]  }
0x1eb: {  	v5 =	vld [tilespmem:s0+$0x2B30]  }
0x1ec: {  	v14 =	vld [tilespmem:s0+$0x29D0]  }
0x1ed: {  	v15 =	vld [tilespmem:s0+$0x2A50]  }
0x1ee: {  	v7 =	vld [tilespmem:s0+$0x2B20]  }
0x1ef: {  	v8 =	vld [tilespmem:s0+$0x2AB0]  }
0x1f0: {  	v16 =	vld [tilespmem:s0+$0x29C0]  }
0x1f1: {  	v17 =	vld [tilespmem:s0+$0x2A40]  }
0x1f2: {  	v9 =	vld [tilespmem:s0+$0x2B10]  }
0x1f3: {  	v10 =	vld [tilespmem:s0+$0x2AA0]  }
0x1f4: {  	v18 =	vld [tilespmem:s0+$0x29B0]  }
0x1f5: {  	v19 =	vld [tilespmem:s0+$0x2A30]  }
0x1f6: {  	v24 =	vld [tilespmem:s0+$0x2B00]  }
0x1f7: {  	v26 =	vld [tilespmem:s0+$0x2A90]  }
0x1f8: {  	v20 =	vld [tilespmem:s0+$0x29A0]  }
0x1f9: {  	v22 =	vld [tilespmem:s0+$0x2A20]  }
0x1fa: {  	s29 =	simm.s32 $0x0;
	v23 =	vld [tilespmem:s0+$0x2A80]  }
0x1fb: {  	s6 =	sshll.u32 s6, $0xA;
	s7 =	sand.u32 $0x3FFFFF80, s29;
	v21 =	vld [tilespmem:s0+$0x2990]  }
0x1fc: {  	s6 =	sadd.s32 s7, s6;
	v25 =	vld [tilespmem:s0+$0x2A10]  }
0x1fd: {  	v27 =	vld [tilespmem:s6+$0x9F0]  }
0x1fe: {  	v28 =	vld [tilespmem:s6+$0x980]  }
0x1ff: {  	v29 =	vld [tilespmem:s6+$0x9E0]  }
0x200: {  	v30 =	vld [tilespmem:s6+$0x990]  }
0x201: {  	v31 =	vld [tilespmem:s6+$0x9D0]  }
0x202: {  	v32 =	vld [tilespmem:s6+$0x9A0];
	v27 =	vshll.u32 v27, $0x2  }
0x203: {  	v33 =	vld [tilespmem:s6+$0x9B0];
	v28 =	vshll.u32 v28, $0x2  }
0x204: {  	v34 =	vld [tilespmem:s6+$0x9C0];
	v29 =	vshll.u32 v29, $0x2  }
0x205: {  	v35 =	vld [tilespmem:s0+$0x2980];
	v30 =	vshll.u32 v30, $0x2  }
0x206: {  	v36 =	vld [tilespmem:s0+$0x2A00];
	v31 =	vshll.u32 v31, $0x2  }
0x207: {  	v32 =	vshll.u32 v32, $0x2;
	v37 =	vld.idx.msk [tilespmem:v27+s5+$0x0], $0xffff  }
0x208: {  	v33 =	vshll.u32 v33, $0x2;
	v38 =	vld.idx.msk [tilespmem:v28+s5+$0x0], $0xffff  }
0x209: {  	v34 =	vshll.u32 v34, $0x2;
	v39 =	vld.idx.msk [tilespmem:v29+s5+$0x0], $0xffff  }
0x20a: {  	v40 =	vor.u32 $0x1, v28;
	v41 =	vld.idx.msk [tilespmem:v30+s5+$0x0], $0xffff  }
0x20b: {  	v43 =	vor.u32 $0x1, v27;
	v42 =	vld.idx.msk [tilespmem:v31+s5+$0x0], $0xffff  }
0x20c: {  	v44 =	vor.u32 $0x1, v30;
	v45 =	vld.idx.msk [tilespmem:v32+s5+$0x0], $0xffff  }
0x20d: {  	v47 =	vor.u32 $0x1, v29;
	v46 =	vld.idx.msk [tilespmem:v33+s5+$0x0], $0xffff  }
0x20e: {  	v48 =	vor.u32 $0x1, v32;
	v49 =	vld.idx.msk [tilespmem:v34+s5+$0x0], $0xffff;
	[tilespmem:s0+$0xA980] =	vst v38  }
0x20f: {  	v50 =	vor.u32 $0x1, v33;
	[tilespmem:s0+$0xA9F0] =	vst v37;
	v40 =	vld.idx.msk [tilespmem:v40+s5+$0x0], $0xffff  }
0x210: {  	v51 =	vor.u32 $0x1, v34;
	[tilespmem:s0+$0xA990] =	vst v41;
	v43 =	vld.idx.msk [tilespmem:v43+s5+$0x0], $0xffff  }
0x211: {  	v53 =	vor.u32 $0x1, v31;
	[tilespmem:s0+$0xA9E0] =	vst v39;
	v44 =	vld.idx.msk [tilespmem:v44+s5+$0x0], $0xffff  }
0x212: {  	v52 =	vor.u32 $0x2, v28;
	[tilespmem:s0+$0xA9A0] =	vst v45;
	v47 =	vld.idx.msk [tilespmem:v47+s5+$0x0], $0xffff  }
0x213: {  	v54 =	vor.u32 $0x2, v30;
	[tilespmem:s0+$0xA9B0] =	vst v46;
	v48 =	vld.idx.msk [tilespmem:v48+s5+$0x0], $0xffff  }
0x214: {  	v55 =	vor.u32 $0x2, v27;
	[tilespmem:s0+$0xA9C0] =	vst v49;
	v50 =	vld.idx.msk [tilespmem:v50+s5+$0x0], $0xffff  }
0x215: {  	v56 =	vor.u32 $0x2, v32;
	[tilespmem:s0+$0xA9D0] =	vst v42;
	v51 =	vld.idx.msk [tilespmem:v51+s5+$0x0], $0xffff  }
0x216: {  	v57 =	vor.u32 $0x2, v33;
	v53 =	vld.idx.msk [tilespmem:v53+s5+$0x0], $0xffff;
	[tilespmem:s0+$0xAA00] =	vst v40  }
0x217: {  	v58 =	vor.u32 $0x2, v34;
	[tilespmem:s0+$0xAA10] =	vst v44;
	v52 =	vld.idx.msk [tilespmem:v52+s5+$0x0], $0xffff  }
0x218: {  	v62 =	vor.u32 $0x2, v31;
	v37 =	vmul.f32 v6, v37;
	v14 =	vmul.f32 v14, v42;
	[tilespmem:s0+$0xAA70] =	vst v43;
	v54 =	vld.idx.msk [tilespmem:v54+s5+$0x0], $0xffff  }
0x219: {  	v28 =	vor.u32 $0x3, v28;
	v12 =	vmul.f32 v12, v39;
	v46 =	vmul.f32 v18, v46;
	[tilespmem:s0+$0xAA20] =	vst v48;
	v6 =	vld.idx.msk [tilespmem:v55+s5+$0x0], $0xffff  }
0x21a: {  	v49 =	vmul.f32 v16, v49;
	v16 =	vmul.f32 v21, v41;
	v18 =	vor.u32 $0x2, v29;
	[tilespmem:s0+$0xAA30] =	vst v50;
	v63 =	vld.idx.msk [tilespmem:v56+s5+$0x0], $0xffff  }
0x21b: {  	v30 =	vor.u32 $0x3, v30;
	v45 =	vmul.f32 v20, v45;
	v35 =	vmul.f32 v35, v38;
	[tilespmem:s0+$0xAA40] =	vst v51;
	v41 =	vld.idx.msk [tilespmem:v57+s5+$0x0], $0xffff  }
0x21c: {  	[tilespmem:s0+$0xAA50] =	vst v53;
	v13 =	vmul.f32 v13, v47;
	v25 =	vmul.f32 v25, v44;
	v21 =	vld.idx.msk [tilespmem:v58+s5+$0x0], $0xffff  }
0x21d: {  	v32 =	vor.u32 $0x3, v32;
	v61 =	vmul.f32 v22, v48;
	v55 =	vmul.f32 v11, v43;
	v20 =	vld.idx.msk [tilespmem:v62+s5+$0x0], $0xffff;
	[tilespmem:s0+$0xAA80] =	vst v52  }
0x21e: {  	[tilespmem:s0+$0xAA60] =	vst v47;
	v56 =	vmul.f32 v15, v53;
	v57 =	vmul.f32 v19, v50;
	v11 =	vld.idx.msk [tilespmem:v28+s5+$0x0], $0xffff;
	v28 =	vor.u32 $0x3, v33  }
0x21f: {  	v31 =	vor.u32 $0x3, v31;
	v58 =	vmul.f32 v17, v51;
	v19 =	vmul.f32 v36, v40;
	v18 =	vld.idx.msk [tilespmem:v18+s5+$0x0], $0xffff;
	[tilespmem:s0+$0xAA90] =	vst v54  }
0x220: {  	v17 =	vadd.f32 v13, v12;
	v60 =	vadd.f32 v25, v16;
	v15 =	vld.idx.msk [tilespmem:v30+s5+$0x0], $0xffff;
	v30 =	vor.u32 $0x3, v34  }
0x221: {  	v25 =	vld [tilespmem:s0+$0x2AC0];
	v62 =	vadd.f32 v61, v45;
	v13 =	vadd.f32 v19, v35;
	[tilespmem:s0+$0xAAA0] =	vst v63;
	v59 =	vmul.f32 v23, v52  }
0x222: {  	v22 =	vor.u32 $0x3, v27;
	v12 =	vadd.f32 v55, v37;
	[tilespmem:s0+$0xAAB0] =	vst v41;
	v26 =	vmul.f32 v26, v54;
	v19 =	vld.idx.msk [tilespmem:v32+s5+$0x0], $0xffff  }
0x223: {  	[tilespmem:s0+$0xAAC0] =	vst v21;
	v27 =	vadd.f32 v59, v13;
	v16 =	vld.idx.msk [tilespmem:v28+s5+$0x0], $0xffff;
	v28 =	vmul.f32 v24, v11;
	v24 =	vor.u32 $0x3, v29  }
0x224: {  	v23 =	vadd.f32 v56, v14;
	v14 =	vadd.f32 v58, v49;
	[tilespmem:s0+$0xAAD0] =	vst v20;
	v13 =	vld [tilespmem:s0+$0x2AD0];
	v29 =	vmul.f32 v10, v63  }
0x225: {  	v32 =	vadd.f32 v26, v60;
	v10 =	vld.idx.msk [tilespmem:v30+s5+$0x0], $0xffff;
	v63 =	vmul.f32 v9, v15;
	v27 =	vadd.f32 v28, v27  }
0x226: {  	v9 =	vld.idx.msk [tilespmem:v31+s5+$0x0], $0xffff;
	v30 =	vmul.f32 v8, v41;
	v26 =	vadd.f32 v29, v62;
	v29 =	vadd.f32 v57, v46  }
0x227: {  	s6 =	simm.s32 $0x0;
	[tilespmem:s0+$0xAAE0] =	vst v18;
	v8 =	vld [tilespmem:s0+$0x2AE0];
	v7 =	vmul.f32 v7, v19;
	v28 =	vmul.f32 v27, v27;
	v27 =	vadd.f32 v63, v32  }
.LBB2_10:
0x228: {  	s6 =	sadd.s32 $0x8, s6;
	v29 =	vadd.f32 v30, v29;
	v5 =	vmul.f32 v5, v16;
	v21 =	vmul.f32 v25, v21;
	v24 =	vld.idx.msk [tilespmem:v24+s5+$0x0], $0xffff;
	s4 =	sadd.s32 $0x1, s4  }
0x229: {  	s7 =	sand.u32 $0x3, s4;
	s9 =	sshll.u32 s6, $0x6;
	p0 =	slt.u32 s6, $0xF8;
	v1 =	vadd.f32 v28, v1;
	v25 =	vmul.f32 v27, v27;
	v7 =	vadd.f32 v7, v26;
	v26 =	vld [tilespmem:s0+$0x2AF0];
	[tilespmem:s0+$0xAAF0] =	vst v6  }
0x22a: {  	v4 =	vmul.f32 v4, v10;
	s9 =	sand.u32 $0xFFFFF800, s9;
	s11 =	sshll.u32 s7, $0x9;
	v14 =	vadd.f32 v21, v14;
	v13 =	vmul.f32 v13, v20;
	v20 =	vld.idx.msk [tilespmem:v22+s5+$0x0], $0xffff  }
0x22b: {  	v5 =	vadd.f32 v5, v29;
	s9 =	sor.u32 s9, s11;
	[tilespmem:s0+$0xAB00] =	vst v11;
	v1 =	vadd.f32 v25, v1;
	v7 =	vmul.f32 v7, v7;
	v21 =	vld [tilespmem:s0+$0x2B70]  }
0x22c: {  	v22 =	vld [tilespmem:s9+$0x2B60];
	[tilespmem:s0+$0xAB10] =	vst v15;
	v13 =	vadd.f32 v13, v23;
	v23 =	vmul.f32 v2, v9;
	v8 =	vmul.f32 v8, v18  }
0x22d: {  	v5 =	vmul.f32 v5, v5;
	v4 =	vadd.f32 v4, v14;
	v2 =	vld [tilespmem:s9+$0x2B50];
	[tilespmem:s0+$0xAB20] =	vst v19;
	v1 =	vadd.f32 v7, v1  }
0x22e: {  	v3 =	vmul.f32 v3, v24;
	v15 =	vld [tilespmem:s9+$0x29F0];
	[tilespmem:s0+$0xAB30] =	vst v16;
	v7 =	vadd.f32 v8, v17;
	v6 =	vmul.f32 v26, v6  }
0x22f: {  	v8 =	vadd.f32 v23, v13;
	v11 =	vld [tilespmem:s9+$0x2A70];
	v1 =	vadd.f32 v5, v1;
	[tilespmem:s0+$0xAB40] =	vst v10;
	v5 =	vmul.f32 v4, v4  }
0x230: {  	v4 =	vld [tilespmem:s9+$0x2B40];
	[tilespmem:s0+$0xAB50] =	vst v9;
	v9 =	vadd.f32 v6, v12;
	v10 =	vmul.f32 v21, v20  }
0x231: {  	v8 =	vmul.f32 v8, v8;
	v7 =	vadd.f32 v3, v7;
	v6 =	vld [tilespmem:s9+$0x29E0];
	v1 =	vadd.f32 v5, v1;
	[tilespmem:s0+$0xAB60] =	vst v24  }
0x232: {  	v3 =	vmov v22;
	v12 =	vld [tilespmem:s9+$0x2A60];
	[tilespmem:s0+$0xAB70] =	vst v20;
	s0 =	smov.u32 s9  }
0x233: {  	v7 =	vmul.f32 v7, v7;
	v5 =	vld [tilespmem:s0+$0x2B30];
	v1 =	vadd.f32 v8, v1;
	v8 =	vadd.f32 v10, v9  }
0x234: {  	v21 =	vld [tilespmem:s0+$0x29D0]  }
0x235: {  	v17 =	vld [tilespmem:s0+$0x2A50];
	v1 =	vadd.f32 v7, v1;
	v9 =	vmul.f32 v8, v8  }
0x236: {  	v7 =	vld [tilespmem:s0+$0x2B20]  }
0x237: {  	v8 =	vld [tilespmem:s0+$0x2AB0];
	v1 =	vadd.f32 v9, v1  }
0x238: {  	v22 =	vld [tilespmem:s0+$0x29C0]  }
0x239: {  	v18 =	vld [tilespmem:s0+$0x2A40]  }
0x23a: {  	v9 =	vld [tilespmem:s0+$0x2B10]  }
0x23b: {  	v10 =	vld [tilespmem:s0+$0x2AA0]  }
0x23c: {  	v24 =	vld [tilespmem:s0+$0x29B0]  }
0x23d: {  	v20 =	vld [tilespmem:s0+$0x2A30]  }
0x23e: {  	v13 =	vld [tilespmem:s0+$0x2B00]  }
0x23f: {  	v14 =	vld [tilespmem:s0+$0x2A90]  }
0x240: {  	v25 =	vld [tilespmem:s0+$0x29A0]  }
0x241: {  	v16 =	vld [tilespmem:s0+$0x2A20]  }
0x242: {  	s9 =	sshll.u32 s6, $0x2;
	v19 =	vld [tilespmem:s0+$0x2A80]  }
0x243: {  	s7 =	sshll.u32 s7, $0xA;
	s9 =	sand.u32 $0x3FFFFF80, s9;
	v26 =	vld [tilespmem:s0+$0x2990]  }
0x244: {  	s7 =	sadd.s32 s9, s7;
	v23 =	vld [tilespmem:s0+$0x2A10]  }
0x245: {  	v27 =	vld [tilespmem:s7+$0x9F0]  }
0x246: {  	v28 =	vld [tilespmem:s7+$0x980]  }
0x247: {  	v29 =	vld [tilespmem:s7+$0x9E0]  }
0x248: {  	v30 =	vld [tilespmem:s7+$0x990]  }
0x249: {  	v31 =	vld [tilespmem:s7+$0x9D0]  }
0x24a: {  	v32 =	vld [tilespmem:s7+$0x9A0];
	v27 =	vshll.u32 v27, $0x2  }
0x24b: {  	v28 =	vshll.u32 v28, $0x2;
	v33 =	vld [tilespmem:s7+$0x9B0]  }
0x24c: {  	v34 =	vld [tilespmem:s7+$0x9C0];
	v29 =	vshll.u32 v29, $0x2  }
0x24d: {  	v35 =	vld [tilespmem:s0+$0x2980];
	v30 =	vshll.u32 v30, $0x2  }
0x24e: {  	v36 =	vld [tilespmem:s0+$0x2A00];
	v31 =	vshll.u32 v31, $0x2  }
0x24f: {  	v32 =	vshll.u32 v32, $0x2;
	v37 =	vld.idx.msk [tilespmem:v27+s5+$0x0], $0xffff  }
0x250: {  	v38 =	vld.idx.msk [tilespmem:v28+s5+$0x0], $0xffff;
	v33 =	vshll.u32 v33, $0x2  }
0x251: {  	v34 =	vshll.u32 v34, $0x2;
	v39 =	vld.idx.msk [tilespmem:v29+s5+$0x0], $0xffff  }
0x252: {  	v40 =	vor.u32 $0x1, v28;
	v41 =	vld.idx.msk [tilespmem:v30+s5+$0x0], $0xffff  }
0x253: {  	v43 =	vor.u32 $0x1, v27;
	v42 =	vld.idx.msk [tilespmem:v31+s5+$0x0], $0xffff  }
0x254: {  	v44 =	vor.u32 $0x1, v30;
	v45 =	vld.idx.msk [tilespmem:v32+s5+$0x0], $0xffff  }
0x255: {  	v47 =	vor.u32 $0x1, v29;
	v46 =	vld.idx.msk [tilespmem:v33+s5+$0x0], $0xffff  }
0x256: {  	v48 =	vor.u32 $0x1, v32;
	[tilespmem:s0+$0xA980] =	vst v38;
	v49 =	vld.idx.msk [tilespmem:v34+s5+$0x0], $0xffff  }
0x257: {  	v50 =	vor.u32 $0x1, v33;
	v40 =	vld.idx.msk [tilespmem:v40+s5+$0x0], $0xffff;
	[tilespmem:s0+$0xA9F0] =	vst v37  }
0x258: {  	v51 =	vor.u32 $0x1, v34;
	[tilespmem:s0+$0xA990] =	vst v41;
	v43 =	vld.idx.msk [tilespmem:v43+s5+$0x0], $0xffff  }
0x259: {  	v52 =	vor.u32 $0x2, v28;
	v44 =	vld.idx.msk [tilespmem:v44+s5+$0x0], $0xffff;
	[tilespmem:s0+$0xA9E0] =	vst v39  }
0x25a: {  	v53 =	vor.u32 $0x1, v31;
	[tilespmem:s0+$0xA9A0] =	vst v45;
	v47 =	vld.idx.msk [tilespmem:v47+s5+$0x0], $0xffff  }
0x25b: {  	v54 =	vor.u32 $0x2, v30;
	v48 =	vld.idx.msk [tilespmem:v48+s5+$0x0], $0xffff;
	[tilespmem:s0+$0xA9B0] =	vst v46  }
0x25c: {  	v55 =	vor.u32 $0x2, v27;
	v50 =	vld.idx.msk [tilespmem:v50+s5+$0x0], $0xffff;
	[tilespmem:s0+$0xA9C0] =	vst v49  }
0x25d: {  	v56 =	vor.u32 $0x2, v32;
	[tilespmem:s0+$0xAA00] =	vst v40;
	v51 =	vld.idx.msk [tilespmem:v51+s5+$0x0], $0xffff  }
0x25e: {  	v57 =	vor.u32 $0x2, v33;
	v52 =	vld.idx.msk [tilespmem:v52+s5+$0x0], $0xffff;
	[tilespmem:s0+$0xA9D0] =	vst v42  }
0x25f: {  	v58 =	vor.u32 $0x2, v34;
	[tilespmem:s0+$0xAA10] =	vst v44;
	v53 =	vld.idx.msk [tilespmem:v53+s5+$0x0], $0xffff  }
0x260: {  	v28 =	vor.u32 $0x3, v28;
	v37 =	vmul.f32 v15, v37;
	v54 =	vld.idx.msk [tilespmem:v54+s5+$0x0], $0xffff;
	[tilespmem:s0+$0xAA70] =	vst v43  }
0x261: {  	v15 =	vor.u32 $0x2, v31;
	v39 =	vmul.f32 v6, v39;
	v42 =	vmul.f32 v21, v42;
	[tilespmem:s0+$0xAA20] =	vst v48;
	v6 =	vld.idx.msk [tilespmem:v55+s5+$0x0], $0xffff  }
0x262: {  	v30 =	vor.u32 $0x3, v30;
	v46 =	vmul.f32 v24, v46;
	v49 =	vmul.f32 v22, v49;
	v55 =	vld.idx.msk [tilespmem:v56+s5+$0x0], $0xffff;
	[tilespmem:s0+$0xAA30] =	vst v50  }
0x263: {  	v26 =	vmul.f32 v26, v41;
	v41 =	vmul.f32 v25, v45;
	v24 =	vor.u32 $0x2, v29;
	v45 =	vld.idx.msk [tilespmem:v57+s5+$0x0], $0xffff;
	[tilespmem:s0+$0xAA40] =	vst v51  }
0x264: {  	v32 =	vor.u32 $0x3, v32;
	v25 =	vmul.f32 v35, v38;
	v35 =	vmul.f32 v11, v43;
	[tilespmem:s0+$0xAA80] =	vst v52;
	v21 =	vld.idx.msk [tilespmem:v58+s5+$0x0], $0xffff  }
0x265: {  	v12 =	vmul.f32 v12, v47;
	v11 =	vld.idx.msk [tilespmem:v28+s5+$0x0], $0xffff;
	v28 =	vor.u32 $0x3, v33;
	[tilespmem:s0+$0xAA50] =	vst v53;
	v33 =	vmul.f32 v17, v53  }
0x266: {  	v22 =	vor.u32 $0x3, v27;
	v38 =	vmul.f32 v20, v50;
	v43 =	vmul.f32 v18, v51;
	[tilespmem:s0+$0xAA90] =	vst v54;
	v20 =	vld.idx.msk [tilespmem:v15+s5+$0x0], $0xffff  }
0x267: {  	v27 =	vmul.f32 v36, v40;
	v23 =	vmul.f32 v23, v44;
	v15 =	vld.idx.msk [tilespmem:v30+s5+$0x0], $0xffff;
	v30 =	vor.u32 $0x3, v34;
	[tilespmem:s0+$0xAA60] =	vst v47  }
0x268: {  	v17 =	vadd.f32 v12, v39;
	v12 =	vadd.f32 v35, v37;
	[tilespmem:s0+$0xAAA0] =	vst v55;
	v18 =	vld.idx.msk [tilespmem:v24+s5+$0x0], $0xffff;
	v24 =	vor.u32 $0x3, v29  }
0x269: {  	v31 =	vor.u32 $0x3, v31;
	v25 =	vadd.f32 v27, v25;
	v27 =	vmul.f32 v19, v52;
	v19 =	vld.idx.msk [tilespmem:v32+s5+$0x0], $0xffff;
	[tilespmem:s0+$0xAAB0] =	vst v45  }
0x26a: {  	v26 =	vadd.f32 v23, v26;
	v23 =	vadd.f32 v33, v42;
	v29 =	vmul.f32 v16, v48;
	v16 =	vld.idx.msk [tilespmem:v28+s5+$0x0], $0xffff  }
.Ltmp4:
0x26b: {  	v27 =	vadd.f32 v27, v25;
	v13 =	vmul.f32 v13, v11;
	v28 =	vmul.f32 v14, v54;
	v25 =	vld [tilespmem:s0+$0x2AC0];
	[tilespmem:s0+$0xAAC0] =	vst v21;
	(pc) =	sbr.rel @p0 .LBB2_10-.Ltmp4, $4  }
0x26c: {  	v32 =	vmul.f32 v10, v55;
	v29 =	vadd.f32 v29, v41;
	v14 =	vadd.f32 v43, v49;
	v10 =	vld.idx.msk [tilespmem:v30+s5+$0x0], $0xffff  }
0x26d: {  	v27 =	vadd.f32 v13, v27;
	v33 =	vadd.f32 v28, v26;
	v34 =	vmul.f32 v9, v15;
	v13 =	vld [tilespmem:s0+$0x2AD0];
	[tilespmem:s0+$0xAAD0] =	vst v20  }
0x26e: {  	v26 =	vadd.f32 v32, v29;
	v29 =	vadd.f32 v38, v46;
	v30 =	vmul.f32 v8, v45;
	v9 =	vld.idx.msk [tilespmem:v31+s5+$0x0], $0xffff  }
0x26f: {  	v28 =	vmul.f32 v27, v27;
	v27 =	vadd.f32 v34, v33;
	v7 =	vmul.f32 v7, v19;
	v8 =	vld [tilespmem:s0+$0x2AE0];
	[tilespmem:s0+$0xAAE0] =	vst v18  }
0x270: {  	_ =	sdelay $0x2  }
0x271: {  	v21 =	vmul.f32 v25, v21;
	[tilespmem:s0+$0xAAF0] =	vst v6  }
0x272: {  	v24 =	vld.idx.msk [tilespmem:v24+s5+$0x0], $0xffff;
	v56 =	vadd.f32 v30, v29;
	v5 =	vmul.f32 v5, v16;
	[tilespmem:s0+$0xAB00] =	vst v11  }
0x273: {  	v57 =	vld [tilespmem:s0+$0x2AF0];
	[tilespmem:s0+$0xAB10] =	vst v15;
	v1 =	vadd.f32 v28, v1;
	v27 =	vmul.f32 v27, v27;
	v7 =	vadd.f32 v7, v26  }
0x274: {  	v59 =	vld [tilespmem:s0+$0x2B70];
	[tilespmem:s0+$0xAB20] =	vst v19;
	v4 =	vmul.f32 v4, v10;
	v14 =	vadd.f32 v21, v14;
	v13 =	vmul.f32 v13, v20  }
0x275: {  	v58 =	vld.idx.msk [tilespmem:v22+s5+$0x0], $0xffff;
	v5 =	vadd.f32 v5, v56;
	v1 =	vadd.f32 v27, v1;
	v7 =	vmul.f32 v7, v7  }
0x276: {  	[tilespmem:s0+$0xAB30] =	vst v16;
	v2 =	vmul.f32 v2, v9;
	v13 =	vadd.f32 v13, v23;
	v8 =	vmul.f32 v8, v18  }
0x277: {  	[tilespmem:s0+$0xAB40] =	vst v10;
	v5 =	vmul.f32 v5, v5;
	v4 =	vadd.f32 v4, v14;
	v1 =	vadd.f32 v7, v1  }
0x278: {  	[tilespmem:s0+$0xAB50] =	vst v9;
	v3 =	vmul.f32 v3, v24;
	v61 =	vmul.f32 v57, v6;
	v60 =	vadd.f32 v8, v17  }
0x279: {  	[tilespmem:s0+$0xAB60] =	vst v24;
	v4 =	vmul.f32 v4, v4;
	v2 =	vadd.f32 v2, v13;
	v1 =	vadd.f32 v5, v1  }
0x27a: {  	v63 =	vmul.f32 v59, v58;
	[tilespmem:s0+$0xAB70] =	vst v58;
	v62 =	vadd.f32 v61, v12  }
0x27b: {  	s0 =	rddreg [dreg:$0x9];
	v2 =	vmul.f32 v2, v2;
	v3 =	vadd.f32 v3, v60;
	v1 =	vadd.f32 v4, v1  }
0x27c: {  	[hbm4b:s0+s16] =	stream.strided.scatter [tilespmem:s23], [sflag:$0x3], $0x4000, s18, s16, $0x38;
	[tilespmem:$0x12A00] =	vst v63  }
0x27d: {  	_ =	swait.ge [sflag:s28], $0x4000;
	v1 =	vadd.f32 v2, v1;
	v2 =	vmul.f32 v3, v3;
	v3 =	vadd.f32 v63, v62  }
0x27e: {  	[sflag:s28] =	ssyncset.done $0x0  }
0x27f: {  	[sflag:s28] =	ssyncadd.s32 $0xFFFFC000;
	v1 =	vadd.f32 v2, v1;
	v2 =	vmul.f32 v3, v3  }
0x280: {  	_ =	swait.ge [sflag:s26], $0x4000  }
0x281: {  	s30 =	sadd.s32 $0x1, s30;
	[sflag:s26] =	ssyncset.done $0x0;
	v1 =	vadd.f32 v2, v1  }
0x282: {  	p0 =	sne.s32 s30, s14;
	[sflag:s26] =	ssyncadd.s32 $0xFFFFC000  }
.Ltmp5:
0x283: {  	s4 =	simm.s32 $0x12980;
	s29 =	rddreg [dreg:$0xa];
	[tilespmem:$0x12980] =	vst v1;
	(pc) =	sbr.rel @p0 .LBB2_1-.Ltmp5, $4  }
0x284: {  	[hbm4b:s29+s5] =	stream.linear.scatter [tilespmem:s4], [sflag:$0x5], $0x80, $0x38;
	[tilespmem:$0x12A00] =	vst v63  }
0x285: {  	_ =	swait.ge [sflag:s15], $0x80  }
0x286: {  	[sflag:s15] =	ssyncset.done $0x0  }
0x287: {  	[sflag:s15] =	ssyncadd.s32 $0xFFFFFF80  }
0x288: {  	_ =	sfence.sel $0x180000  }
0x289: {  	[bflag:$0x0] =	sbarrier.arrive $0xFFFF  }
0x28a: {  	_ =	strace $0x90000047  }
0x28b: {  	s0 =	stileid.u32;
	[bflag:$0x2] =	sbarrier.arrive $0xFFFF  }
0x28c: {  	p0 =	sne.s32 s0, $0x0;
	s0 =	rddreg [dreg:$0x4]  }
0x28d: {  	s0 =	sadd.s32 @!p0 $0x100000, s0  }
0x28e: {  	[sflag:s0] =	ssyncadd.tile.s32 @!p0 $0x1;
	_ =	shalt  }
.Lfunc_end2:
_tile_overlayer_lowered:
.L_overlay_start_2:
0x28f: {  	(tag) =	ssettag $0x2  }
0x290: {  	s0 =	rddreg [dreg:$0x0];
	s2 =	stileid.u32  }
0x291: {  	s1 =	rddreg [dreg:$0x1];
	p0 =	sne.s32 s2, $0x0  }
0x292: {  	s3 =	rddreg [dreg:$0x2];
	[bflag:$0x3] =	sbarrier.arrive $0xFFFF;
	s2 =	simm.s32 @!p0 $0x1C05  }
0x293: {  	[timem:s3], [sflag:s2] =	dma.local @!p0 [hbm:s0], s1  }
0x294: {  	s0 =	simm.s32 @!p0 $0x5  }
0x295: {  	_ =	swait.ge @!p0 [sflag:s0], s1  }
0x296: {  	s1 =	ssub.s32 @!p0 $0x0, s1;
	[sflag:s0] =	ssyncset.done @!p0 $0x0  }
0x297: {  	[sflag:s0] =	ssyncadd.s32 @!p0 s1  }
0x298: {  	[bflag:$0x3] =	sbarrier.arrive $0xFFFF  }
0x299: {  	_ =	shalt  }

</sc_bundles>
